<compile_context>
chip_gen: v7x
topology: tpu7x:2x2x1
jax: 0.10.2.dev20260603
libtpu: 0.0.44.dev20260713+nightly
codegen_flags: <defaults>
</compile_context>

<pallas_src>
import functools

import jax
import jax.numpy as jnp
from jax import lax
from jax.experimental import pallas as pl
from jax.experimental.pallas import tpu as pltpu
from jax.experimental.pallas import tpu_sc as plsc


def _tc_pack(table, n_cols, dep=None):
    v, d = table.shape
    pairs = v // (2 * n_cols)
    off = pairs * n_cols
    tail_start = 2 * off
    steps = pairs + 1
    f32 = jnp.float32

    tail = jax.lax.slice(table, (tail_start, 0), (v, d))
    tail = jnp.pad(tail, ((0, n_cols - (v - tail_start)), (0, 0)))
    for dx in (dep if dep is not None else ()):
        tail = tail + (dx[0, 0] * 0).astype(tail.dtype)

    def body(lo_ref, hi_ref, tail_ref, out_ref):
        step = pl.program_id(0)

        @pl.when(step < pairs)
        def _pair():
            out_ref[...] = jnp.concatenate(
                [lo_ref[...].T, hi_ref[...].T], axis=1)

        @pl.when(step == pairs)
        def _tail():
            out_ref[...] = jnp.concatenate(
                [tail_ref[...], jnp.zeros_like(tail_ref[...])], axis=1)

    packed = pl.pallas_call(
        body,
        grid=(steps,),
        in_specs=[
            pl.BlockSpec((d, n_cols), lambda l: (0, jnp.minimum(l, pairs - 1))),
            pl.BlockSpec(
                (d, n_cols),
                lambda l: (0, jnp.minimum(l + pairs, 2 * pairs - 1))),
            pl.BlockSpec((n_cols, d), lambda l: (0, 0)),
        ],
        out_specs=pl.BlockSpec((n_cols, 2 * d), lambda l: (l, 0)),
        out_shape=jax.ShapeDtypeStruct((steps * n_cols, 2 * d), f32),
    )(table.T, table.T, tail)
    return packed, off, tail_start


def _tc_hist_idx(user_history, off, tail_start):
    n_b, n_l = user_history.shape

    def body(in_ref, out_ref):
        i = in_ref[...]
        m = jnp.where(
            i >= tail_start, 2 * (off + i - tail_start),
            jnp.where(i >= off, 2 * (i - off) + 1, 2 * i))
        out_ref[...] = m.T

    return pl.pallas_call(
        body,
        in_specs=[pl.BlockSpec((n_b, n_l), lambda: (0, 0))],
        out_specs=pl.BlockSpec((n_l, n_b), lambda: (0, 0)),
        out_shape=jax.ShapeDtypeStruct((n_l, n_b), jnp.int32),
    )(user_history)


def _sc_info():
    info = plsc.get_sparse_core_info()
    return info.num_cores, info.num_subcores


def _sc_gather_hist(hist_ridx, item_ridx, itab_rows, n_l, n_b, n_side, d):
    nc, ns = _sc_info()
    nw = nc * ns
    lanes = 128
    s_per_chunk = 10
    chunks = n_l // s_per_chunk
    chunk_rows = s_per_chunk * lanes
    side_w = n_side // nw // lanes

    mesh = plsc.VectorSubcoreMesh(core_axis_name="c", subcore_axis_name="s")
    f32 = jnp.float32

    @functools.partial(
        pl.kernel,
        out_type=(
            jax.ShapeDtypeStruct((n_l * n_b, d), f32),
            jax.ShapeDtypeStruct((n_side, d), f32),
        ),
        mesh=mesh,
        compiler_params=pltpu.CompilerParams(use_tc_tiling_on_sc=False),
        scratch_types=[
            pltpu.VMEM((n_l, lanes), jnp.int32),
            pltpu.VMEM((chunk_rows, d), f32),
            pltpu.VMEM((side_w, lanes), jnp.int32),
            pltpu.VMEM((lanes, d), f32),
            pltpu.SemaphoreType.DMA,
        ],
    )
    def gather_kernel(hist_idx_h, item_idx_h, itab_h,
                      hist_out, item_out,
                      idx_v, rows_v, sidx_v, srows_v, sem):
        wid = lax.axis_index("s") * nc + lax.axis_index("c")

        pltpu.sync_copy(item_idx_h.at[wid], sidx_v)
        for j in range(side_w):
            pltpu.async_copy(itab_h.at[sidx_v.at[j]], srows_v, sem).wait()
            pltpu.sync_copy(
                srows_v, item_out.at[pl.ds((wid * side_w + j) * lanes, lanes)])

        pltpu.sync_copy(hist_idx_h.at[:, pl.ds(wid * lanes, lanes)], idx_v)

        @pl.loop(0, chunks)
        def _chunk(c):
            descs = [
                pltpu.async_copy(
                    itab_h.at[idx_v.at[c * s_per_chunk + jj]],
                    rows_v.at[pl.ds(jj * lanes, lanes)],
                    sem,
                )
                for jj in range(s_per_chunk)
            ]
            for desc in descs:
                desc.wait()
            for jj in range(s_per_chunk):
                pltpu.sync_copy(
                    rows_v.at[pl.ds(jj * lanes, lanes)],
                    hist_out.at[pl.ds(
                        (c * s_per_chunk + jj) * n_b + wid * lanes, lanes)],
                )

    return gather_kernel(hist_ridx, item_ridx.reshape(nw, side_w, lanes),
                         itab_rows)


def _sc_gather_user(user_ridx, utab_rows, n_side, d):
    nc, ns = _sc_info()
    nw = nc * ns
    lanes = 128
    side_w = n_side // nw // lanes

    mesh = plsc.VectorSubcoreMesh(core_axis_name="c", subcore_axis_name="s")

    @functools.partial(
        pl.kernel,
        out_type=jax.ShapeDtypeStruct((n_side, d), jnp.float32),
        mesh=mesh,
        compiler_params=pltpu.CompilerParams(use_tc_tiling_on_sc=False),
        scratch_types=[
            pltpu.VMEM((side_w, lanes), jnp.int32),
            pltpu.VMEM((lanes, d), jnp.float32),
            pltpu.SemaphoreType.DMA,
        ],
    )
    def gather_kernel(user_idx_h, utab_h, user_out, sidx_v, srows_v, sem):
        wid = lax.axis_index("s") * nc + lax.axis_index("c")
        pltpu.sync_copy(user_idx_h.at[wid], sidx_v)
        for j in range(side_w):
            pltpu.async_copy(utab_h.at[sidx_v.at[j]], srows_v, sem).wait()
            pltpu.sync_copy(
                srows_v, user_out.at[pl.ds((wid * side_w + j) * lanes, lanes)])

    return gather_kernel(user_ridx.reshape(nw, side_w, lanes), utab_rows)


def _tc_dense(hist3, user_emb, item_emb,
              w_int, w1u_t, w1h_t, b1r, w2r, b2r, d):
    n_l, n_bh, _ = hist3.shape
    n_b = 2 * n_bh
    lps = 2 if n_l % 2 == 0 else 1
    f32 = jnp.float32

    def body(hist_ref, u_ref, it_ref,
             wint_ref, w1u_ref, w1h_ref, b1_ref, w2_ref, b2_ref,
             uout_ref, inter_ref, upart_s):
        step = pl.program_id(0)

        @pl.when(step == 0)
        def _init():
            u = u_ref[...]
            upart_s[...] = (
                jnp.dot(u, w1u_ref[...], preferred_element_type=f32)
                + b1_ref[...]
            )
            t = jnp.dot(u, wint_ref[...], preferred_element_type=f32)
            inter_ref[...] = jnp.sum(t * it_ref[...], axis=1, keepdims=True)
            uout_ref[...] = u

        hists = [
            jnp.concatenate(
                [hist_ref[s][:, :d], hist_ref[s][:, d:]], axis=0)
            for s in range(lps)
        ]
        hh = jnp.concatenate(hists, axis=0) if lps > 1 else hists[0]
        mm = jnp.dot(hh.astype(jnp.bfloat16),
                     w1h_ref[...].astype(jnp.bfloat16),
                     preferred_element_type=f32)
        up = upart_s[...]
        if lps > 1:
            up = jnp.concatenate([up] * lps, axis=0)
        h = jnp.maximum(mm + up, 0.0)
        a = jax.nn.sigmoid(
            jnp.dot(h.astype(jnp.bfloat16),
                    w2_ref[...].astype(jnp.bfloat16).T,
                    preferred_element_type=f32) + b2_ref[0, 0]
        )
        c = a * hh
        acc = c[:n_b]
        for s in range(1, lps):
            acc = acc + c[s * n_b:(s + 1) * n_b]
        uout_ref[...] += acc

    full = lambda shape: pl.BlockSpec(shape, lambda l: (0,) * len(shape))
    return pl.pallas_call(
        body,
        grid=(n_l // lps,),
        in_specs=[
            pl.BlockSpec((lps, n_bh, 2 * d), lambda l: (l, 0, 0)),
            full((n_b, d)),
            full((n_b, d)),
            full((d, d)),
            full((d, d)),
            full((d, d)),
            full((1, d)),
            full((1, d)),
            full((1, 1)),
        ],
        out_specs=[full((n_b, d)), full((n_b, 1))],
        out_shape=[
            jax.ShapeDtypeStruct((n_b, d), f32),
            jax.ShapeDtypeStruct((n_b, 1), f32),
        ],
        scratch_shapes=[pltpu.VMEM((n_b, d), f32)],
    )(hist3, user_emb, item_emb, w_int, w1u_t, w1h_t, b1r, w2r, b2r)


def kernel(user_ids, item_ids, user_history, user_table, item_table,
           W_int, w1, b1, w2, b2):
    n_b, n_l = user_history.shape
    d = user_table.shape[1]
    h_dim = w1.shape[0]

    itab2, off, tail_start = _tc_pack(item_table, 8192)
    itab_rows = itab2.reshape(-1, d)

    def map_ids(i):
        return jnp.where(
            i >= tail_start, 2 * (off + i - tail_start),
            jnp.where(i >= off, 2 * (i - off) + 1, 2 * i))

    def perm(x):
        return jnp.concatenate([x[0::2], x[1::2]])

    def unperm(x):
        return jnp.stack(
            [x[:n_b // 2], x[n_b // 2:]], axis=1).reshape(n_b, -1)

    hist_ridx = _tc_hist_idx(user_history, off, tail_start)
    utab2, _, _ = _tc_pack(user_table, 8192)
    utab_rows = utab2.reshape(-1, d)
    hist_rows, item_p = _sc_gather_hist(
        hist_ridx, map_ids(perm(item_ids)), itab_rows, n_l, n_b, n_b, d)
    user_p = _sc_gather_user(map_ids(perm(user_ids)), utab_rows, n_b, d)

    uout_p, inter_p = _tc_dense(
        hist_rows.reshape(n_l, n_b // 2, 2 * d), user_p, item_p,
        W_int, w1[:, :d].T, w1[:, d:].T,
        b1.reshape(1, h_dim), w2.reshape(1, h_dim),
        b2.reshape(1, 1).astype(jnp.float32), d)

    return (unperm(uout_p), unperm(item_p), unperm(inter_p))

# --- scband reference (transcript-rebuilt; emitter-appended) ---
"""Pipeline reference for scband-personalized-features-layer-3212635538190 (READ-ONLY COPY).

The authoritative reference and input builder live on the scoring server;
editing this copy changes nothing except your own understanding.
"""

import jax, jax.numpy as jnp
import numpy as np

B = 4096
V_USERS = 1000000
V_ITEMS = 1000000
D = 64
L = 50
H = 64

def setup_inputs(seed: int = 0) -> dict:
    key = jax.random.key(seed)
    ks = jax.random.split(key, 10)
    user_ids = jax.random.randint(ks[0], (B,), 0, V_USERS, dtype=jnp.int64) if jax.config.jax_enable_x64 else jax.random.randint(ks[0], (B,), 0, V_USERS).astype(jnp.int32)
    item_ids = jax.random.randint(ks[1], (B,), 0, V_ITEMS).astype(jnp.int32)
    user_history = jax.random.randint(ks[2], (B, L), 0, V_ITEMS).astype(jnp.int32)
    user_ids = user_ids.astype(jnp.int32)
    user_table = jax.random.normal(ks[3], (V_USERS, D), dtype=jnp.float32)
    item_table = jax.random.normal(ks[4], (V_ITEMS, D), dtype=jnp.float32)
    W_int = jax.random.normal(ks[5], (D, D), dtype=jnp.float32)
    w1 = jax.random.normal(ks[6], (H, 2 * D), dtype=jnp.float32) * (1.0 / np.sqrt(2 * D))
    b1 = jnp.zeros((H,), dtype=jnp.float32)
    w2 = jax.random.normal(ks[7], (1, H), dtype=jnp.float32) * (1.0 / np.sqrt(H))
    b2 = jnp.zeros((1,), dtype=jnp.float32)
    return {"user_ids": user_ids, "item_ids": item_ids, "user_history": user_history,
            "user_table": user_table, "item_table": item_table, "W_int": W_int,
            "w1": w1, "b1": b1, "w2": w2, "b2": b2}

def reference(user_ids, item_ids, user_history, user_table, item_table, W_int, w1, b1, w2, b2):
    user_emb = jnp.take(user_table, user_ids, axis=0)            # [B, D]
    item_emb = jnp.take(item_table, item_ids, axis=0)            # [B, D]
    interaction = jnp.matmul(user_emb, W_int)                    # [B, D]
    interaction = jnp.sum(interaction * item_emb, axis=1, keepdims=True)  # [B, 1]
    history_emb = jnp.take(item_table, user_history, axis=0)     # [B, L, D]
    user_exp = jnp.broadcast_to(user_emb[:, None, :], (user_emb.shape[0], history_emb.shape[1], user_emb.shape[1]))
    attention_input = jnp.concatenate([user_exp, history_emb], axis=-1)  # [B, L, 2D]
    h = jax.nn.relu(jnp.matmul(attention_input, w1.T) + b1)      # [B, L, H]
    attention_weights = jax.nn.sigmoid(jnp.matmul(h, w2.T) + b2) # [B, L, 1]
    history_repr = jnp.sum(attention_weights * history_emb, axis=1)  # [B, D]
    user_out = user_emb + history_repr
    return (user_out, item_emb, interaction)

if __name__ == "__main__":
    import jax
    _d = setup_inputs()
    print(jax.jit(kernel)(*tuple(_d.values())))

</pallas_src>

<mosaic_0001>
#map = affine_map<(d0, d1) -> (0, 0, 0)>
#map1 = affine_map<(d0, d1) -> (0, 0)>
module attributes {stable_mosaic.version = 14 : i64} {
  func.func @gather_kernel(%arg0: i32, %arg1: i32, %arg2: memref<32x1x128xi32, #tpu.memory_space<hbm>>, %arg3: memref<1015808x64xf32, #tpu.memory_space<hbm>>, %arg4: memref<4096x64xf32, #tpu.memory_space<hbm>>, %arg5: memref<1x128xi32, #tpu.memory_space<vmem>>, %arg6: memref<128x64xf32, #tpu.memory_space<vmem>>, %arg7: memref<!tpu.dma_semaphore, #tpu.memory_space<semaphore_mem>>) attributes {dimension_semantics = [#tpu.dimension_semantics<core_parallel>, #tpu.dimension_semantics<subcore_parallel>], iteration_bounds = array<i64: 2, 16>, scalar_prefetch = 0 : i64, scratch_operands = 3 : i64, tpu.core_type = #tpu.core_type<sc_vector_subcore>, window_params = [{transform_indices = #map}, {transform_indices = #map1}, {transform_indices = #map1}]} {
    %mul3A = arith.constant 2 : i32
    %mul3A_0 = arith.muli %arg1, %mul3A : i32
    %add3A = arith.addi %mul3A_0, %arg0 : i32
    "tpu.region"() ({
      %run_scoped3A = tpu.sem_alloc : memref<!tpu.dma_semaphore, #tpu.memory_space<semaphore_mem>>
      %dma_start3A_19 = arith.constant 0 : i32
      %dma_start3A_20 = arith.constant 0 : i32
      %dma_start3A_21 = tpu.memref_slice %arg2[%add3A, %dma_start3A_19, %dma_start3A_20] : memref<32x1x128xi32, #tpu.memory_space<hbm>> -> memref<1x1x128xi32, #tpu.memory_space<hbm>>
      %dma_start3A_22 = tpu.memref_squeeze %dma_start3A_21 : memref<1x1x128xi32, #tpu.memory_space<hbm>> -> memref<1x128xi32, #tpu.memory_space<hbm>>
      %dma_start3A_23 = arith.constant 0 : i32
      %dma_start3A_24 = arith.constant 0 : i32
      %dma_start3A_25 = tpu.memref_slice %arg2[%add3A, %dma_start3A_23, %dma_start3A_24] : memref<32x1x128xi32, #tpu.memory_space<hbm>> -> memref<1x1x128xi32, #tpu.memory_space<hbm>>
      %dma_start3A_26 = tpu.memref_squeeze %dma_start3A_25 : memref<1x1x128xi32, #tpu.memory_space<hbm>> -> memref<1x128xi32, #tpu.memory_space<hbm>>
      tpu.enqueue_dma source(%dma_start3A_26 : memref<1x128xi32, #tpu.memory_space<hbm>>) target(%arg5 : memref<1x128xi32, #tpu.memory_space<vmem>>) target_semaphore(%run_scoped3A : memref<!tpu.dma_semaphore, #tpu.memory_space<semaphore_mem>>)
      %dma_wait3A_27 = arith.constant 0 : i32
      %dma_wait3A_28 = arith.constant 0 : i32
      %dma_wait3A_29 = tpu.memref_slice %arg2[%add3A, %dma_wait3A_27, %dma_wait3A_28] : memref<32x1x128xi32, #tpu.memory_space<hbm>> -> memref<1x1x128xi32, #tpu.memory_space<hbm>>
      %dma_wait3A_30 = tpu.memref_squeeze %dma_wait3A_29 : memref<1x1x128xi32, #tpu.memory_space<hbm>> -> memref<1x128xi32, #tpu.memory_space<hbm>>
      %dma_wait3A_31 = arith.constant 0 : i32
      %dma_wait3A_32 = arith.constant 0 : i32
      %dma_wait3A_33 = tpu.memref_slice %arg2[%add3A, %dma_wait3A_31, %dma_wait3A_32] : memref<32x1x128xi32, #tpu.memory_space<hbm>> -> memref<1x1x128xi32, #tpu.memory_space<hbm>>
      %dma_wait3A_34 = tpu.memref_squeeze %dma_wait3A_33 : memref<1x1x128xi32, #tpu.memory_space<hbm>> -> memref<1x128xi32, #tpu.memory_space<hbm>>
      tpu.wait_dma2 semaphore(%run_scoped3A : memref<!tpu.dma_semaphore, #tpu.memory_space<semaphore_mem>>) src(%dma_wait3A_34 : memref<1x128xi32, #tpu.memory_space<hbm>>) dst(%arg5 : memref<1x128xi32, #tpu.memory_space<vmem>>)
      tpu.yield
    }) : () -> ()
    %dma_start3A = arith.constant 0 : i32
    %dma_start3A_1 = arith.constant 0 : i32
    %dma_start3A_2 = tpu.memref_slice %arg5[%dma_start3A, %dma_start3A_1] : memref<1x128xi32, #tpu.memory_space<vmem>> -> memref<1x128xi32, #tpu.memory_space<vmem>>
    %dma_start3A_3 = tpu.memref_squeeze %dma_start3A_2 : memref<1x128xi32, #tpu.memory_space<vmem>> -> memref<128xi32, #tpu.memory_space<vmem>>
    %dma_start3A_4 = arith.constant 0 : i32
    %dma_start3A_5 = arith.constant 0 : i32
    %dma_start3A_6 = tpu.memref_slice %arg3[%dma_start3A_4, %dma_start3A_5] : memref<1015808x64xf32, #tpu.memory_space<hbm>> -> memref<1015808x64xf32, #tpu.memory_space<hbm>>
    tpu.enqueue_indirect_dma source(%dma_start3A_6 : memref<1015808x64xf32, #tpu.memory_space<hbm>>) target(%arg6 : memref<128x64xf32, #tpu.memory_space<vmem>>) offsets(%dma_start3A_3 : memref<128xi32, #tpu.memory_space<vmem>>) semaphore(%arg7 : memref<!tpu.dma_semaphore, #tpu.memory_space<semaphore_mem>>)
    %dma_wait3A = arith.constant 0 : i32
    %dma_wait3A_7 = arith.constant 0 : i32
    %dma_wait3A_8 = tpu.memref_slice %arg5[%dma_wait3A, %dma_wait3A_7] : memref<1x128xi32, #tpu.memory_space<vmem>> -> memref<1x128xi32, #tpu.memory_space<vmem>>
    %dma_wait3A_9 = tpu.memref_squeeze %dma_wait3A_8 : memref<1x128xi32, #tpu.memory_space<vmem>> -> memref<128xi32, #tpu.memory_space<vmem>>
    %dma_wait3A_10 = arith.constant 0 : i32
    %dma_wait3A_11 = arith.constant 0 : i32
    %dma_wait3A_12 = tpu.memref_slice %arg3[%dma_wait3A_10, %dma_wait3A_11] : memref<1015808x64xf32, #tpu.memory_space<hbm>> -> memref<1015808x64xf32, #tpu.memory_space<hbm>>
    tpu.wait_indirect_dma semaphore(%arg7 : memref<!tpu.dma_semaphore, #tpu.memory_space<semaphore_mem>>) src(%dma_wait3A_12 : memref<1015808x64xf32, #tpu.memory_space<hbm>>) dst(%arg6 : memref<128x64xf32, #tpu.memory_space<vmem>>)
    %mul3A_13 = arith.constant 1 : i32
    %mul3A_14 = arith.muli %add3A, %mul3A_13 : i32
    %add3A_15 = arith.constant 0 : i32
    %add3A_16 = arith.addi %mul3A_14, %add3A_15 : i32
    %mul3A_17 = arith.constant 128 : i32
    %mul3A_18 = arith.muli %add3A_16, %mul3A_17 : i32
    "tpu.region"() ({
      %run_scoped3A = tpu.sem_alloc : memref<!tpu.dma_semaphore, #tpu.memory_space<semaphore_mem>>
      %dma_start3A_19 = arith.constant 0 : i32
      %dma_start3A_20 = tpu.memref_slice %arg4[%mul3A_18, %dma_start3A_19] : memref<4096x64xf32, #tpu.memory_space<hbm>> -> memref<128x64xf32, #tpu.memory_space<hbm>>
      %dma_start3A_21 = arith.constant 0 : i32
      %dma_start3A_22 = tpu.memref_slice %arg4[%mul3A_18, %dma_start3A_21] : memref<4096x64xf32, #tpu.memory_space<hbm>> -> memref<128x64xf32, #tpu.memory_space<hbm>>
      tpu.enqueue_dma source(%arg6 : memref<128x64xf32, #tpu.memory_space<vmem>>) target(%dma_start3A_22 : memref<128x64xf32, #tpu.memory_space<hbm>>) target_semaphore(%run_scoped3A : memref<!tpu.dma_semaphore, #tpu.memory_space<semaphore_mem>>)
      %dma_wait3A_23 = arith.constant 0 : i32
      %dma_wait3A_24 = tpu.memref_slice %arg4[%mul3A_18, %dma_wait3A_23] : memref<4096x64xf32, #tpu.memory_space<hbm>> -> memref<128x64xf32, #tpu.memory_space<hbm>>
      %dma_wait3A_25 = arith.constant 0 : i32
      %dma_wait3A_26 = tpu.memref_slice %arg4[%mul3A_18, %dma_wait3A_25] : memref<4096x64xf32, #tpu.memory_space<hbm>> -> memref<128x64xf32, #tpu.memory_space<hbm>>
      tpu.wait_dma2 semaphore(%run_scoped3A : memref<!tpu.dma_semaphore, #tpu.memory_space<semaphore_mem>>) src(%arg6 : memref<128x64xf32, #tpu.memory_space<vmem>>) dst(%dma_wait3A_26 : memref<128x64xf32, #tpu.memory_space<hbm>>)
      tpu.yield
    }) : () -> ()
    return
  }
}

#map = affine_map<(d0, d1) -> (0, 0)>
#map1 = affine_map<(d0, d1) -> (0, 0, 0)>
module attributes {stable_mosaic.version = 14 : i64} {
  func.func @gather_kernel(%arg0: i32, %arg1: i32, %arg2: memref<50x4096xi32, #tpu.memory_space<hbm>>, %arg3: memref<32x1x128xi32, #tpu.memory_space<hbm>>, %arg4: memref<1015808x64xf32, #tpu.memory_space<hbm>>, %arg5: memref<204800x64xf32, #tpu.memory_space<hbm>>, %arg6: memref<4096x64xf32, #tpu.memory_space<hbm>>, %arg7: memref<50x128xi32, #tpu.memory_space<vmem>>, %arg8: memref<1280x64xf32, #tpu.memory_space<vmem>>, %arg9: memref<1x128xi32, #tpu.memory_space<vmem>>, %arg10: memref<128x64xf32, #tpu.memory_space<vmem>>, %arg11: memref<!tpu.dma_semaphore, #tpu.memory_space<semaphore_mem>>) attributes {dimension_semantics = [#tpu.dimension_semantics<core_parallel>, #tpu.dimension_semantics<subcore_parallel>], iteration_bounds = array<i64: 2, 16>, scalar_prefetch = 0 : i64, scratch_operands = 5 : i64, tpu.core_type = #tpu.core_type<sc_vector_subcore>, window_params = [{transform_indices = #map}, {transform_indices = #map1}, {transform_indices = #map}, {transform_indices = #map}, {transform_indices = #map}]} {
    %mul3A = arith.constant 2 : i32
    %mul3A_0 = arith.muli %arg1, %mul3A : i32
    %add3A = arith.addi %mul3A_0, %arg0 : i32
    "tpu.region"() ({
      %run_scoped3A = tpu.sem_alloc : memref<!tpu.dma_semaphore, #tpu.memory_space<semaphore_mem>>
      %dma_start3A_25 = arith.constant 0 : i32
      %dma_start3A_26 = arith.constant 0 : i32
      %dma_start3A_27 = tpu.memref_slice %arg3[%add3A, %dma_start3A_25, %dma_start3A_26] : memref<32x1x128xi32, #tpu.memory_space<hbm>> -> memref<1x1x128xi32, #tpu.memory_space<hbm>>
      %dma_start3A_28 = tpu.memref_squeeze %dma_start3A_27 : memref<1x1x128xi32, #tpu.memory_space<hbm>> -> memref<1x128xi32, #tpu.memory_space<hbm>>
      %dma_start3A_29 = arith.constant 0 : i32
      %dma_start3A_30 = arith.constant 0 : i32
      %dma_start3A_31 = tpu.memref_slice %arg3[%add3A, %dma_start3A_29, %dma_start3A_30] : memref<32x1x128xi32, #tpu.memory_space<hbm>> -> memref<1x1x128xi32, #tpu.memory_space<hbm>>
      %dma_start3A_32 = tpu.memref_squeeze %dma_start3A_31 : memref<1x1x128xi32, #tpu.memory_space<hbm>> -> memref<1x128xi32, #tpu.memory_space<hbm>>
      tpu.enqueue_dma source(%dma_start3A_32 : memref<1x128xi32, #tpu.memory_space<hbm>>) target(%arg9 : memref<1x128xi32, #tpu.memory_space<vmem>>) target_semaphore(%run_scoped3A : memref<!tpu.dma_semaphore, #tpu.memory_space<semaphore_mem>>)
      %dma_wait3A_33 = arith.constant 0 : i32
      %dma_wait3A_34 = arith.constant 0 : i32
      %dma_wait3A_35 = tpu.memref_slice %arg3[%add3A, %dma_wait3A_33, %dma_wait3A_34] : memref<32x1x128xi32, #tpu.memory_space<hbm>> -> memref<1x1x128xi32, #tpu.memory_space<hbm>>
      %dma_wait3A_36 = tpu.memref_squeeze %dma_wait3A_35 : memref<1x1x128xi32, #tpu.memory_space<hbm>> -> memref<1x128xi32, #tpu.memory_space<hbm>>
      %dma_wait3A_37 = arith.constant 0 : i32
      %dma_wait3A_38 = arith.constant 0 : i32
      %dma_wait3A_39 = tpu.memref_slice %arg3[%add3A, %dma_wait3A_37, %dma_wait3A_38] : memref<32x1x128xi32, #tpu.memory_space<hbm>> -> memref<1x1x128xi32, #tpu.memory_space<hbm>>
      %dma_wait3A_40 = tpu.memref_squeeze %dma_wait3A_39 : memref<1x1x128xi32, #tpu.memory_space<hbm>> -> memref<1x128xi32, #tpu.memory_space<hbm>>
      tpu.wait_dma2 semaphore(%run_scoped3A : memref<!tpu.dma_semaphore, #tpu.memory_space<semaphore_mem>>) src(%dma_wait3A_40 : memref<1x128xi32, #tpu.memory_space<hbm>>) dst(%arg9 : memref<1x128xi32, #tpu.memory_space<vmem>>)
      tpu.yield
    }) : () -> ()
    %dma_start3A = arith.constant 0 : i32
    %dma_start3A_1 = arith.constant 0 : i32
    %dma_start3A_2 = tpu.memref_slice %arg9[%dma_start3A, %dma_start3A_1] : memref<1x128xi32, #tpu.memory_space<vmem>> -> memref<1x128xi32, #tpu.memory_space<vmem>>
    %dma_start3A_3 = tpu.memref_squeeze %dma_start3A_2 : memref<1x128xi32, #tpu.memory_space<vmem>> -> memref<128xi32, #tpu.memory_space<vmem>>
    %dma_start3A_4 = arith.constant 0 : i32
    %dma_start3A_5 = arith.constant 0 : i32
    %dma_start3A_6 = tpu.memref_slice %arg4[%dma_start3A_4, %dma_start3A_5] : memref<1015808x64xf32, #tpu.memory_space<hbm>> -> memref<1015808x64xf32, #tpu.memory_space<hbm>>
    tpu.enqueue_indirect_dma source(%dma_start3A_6 : memref<1015808x64xf32, #tpu.memory_space<hbm>>) target(%arg10 : memref<128x64xf32, #tpu.memory_space<vmem>>) offsets(%dma_start3A_3 : memref<128xi32, #tpu.memory_space<vmem>>) semaphore(%arg11 : memref<!tpu.dma_semaphore, #tpu.memory_space<semaphore_mem>>)
    %dma_wait3A = arith.constant 0 : i32
    %dma_wait3A_7 = arith.constant 0 : i32
    %dma_wait3A_8 = tpu.memref_slice %arg9[%dma_wait3A, %dma_wait3A_7] : memref<1x128xi32, #tpu.memory_space<vmem>> -> memref<1x128xi32, #tpu.memory_space<vmem>>
    %dma_wait3A_9 = tpu.memref_squeeze %dma_wait3A_8 : memref<1x128xi32, #tpu.memory_space<vmem>> -> memref<128xi32, #tpu.memory_space<vmem>>
    %dma_wait3A_10 = arith.constant 0 : i32
    %dma_wait3A_11 = arith.constant 0 : i32
    %dma_wait3A_12 = tpu.memref_slice %arg4[%dma_wait3A_10, %dma_wait3A_11] : memref<1015808x64xf32, #tpu.memory_space<hbm>> -> memref<1015808x64xf32, #tpu.memory_space<hbm>>
    tpu.wait_indirect_dma semaphore(%arg11 : memref<!tpu.dma_semaphore, #tpu.memory_space<semaphore_mem>>) src(%dma_wait3A_12 : memref<1015808x64xf32, #tpu.memory_space<hbm>>) dst(%arg10 : memref<128x64xf32, #tpu.memory_space<vmem>>)
    %mul3A_13 = arith.constant 1 : i32
    %mul3A_14 = arith.muli %add3A, %mul3A_13 : i32
    %add3A_15 = arith.constant 0 : i32
    %add3A_16 = arith.addi %mul3A_14, %add3A_15 : i32
    %mul3A_17 = arith.constant 128 : i32
    %mul3A_18 = arith.muli %add3A_16, %mul3A_17 : i32
    "tpu.region"() ({
      %run_scoped3A = tpu.sem_alloc : memref<!tpu.dma_semaphore, #tpu.memory_space<semaphore_mem>>
      %dma_start3A_25 = arith.constant 0 : i32
      %dma_start3A_26 = tpu.memref_slice %arg6[%mul3A_18, %dma_start3A_25] : memref<4096x64xf32, #tpu.memory_space<hbm>> -> memref<128x64xf32, #tpu.memory_space<hbm>>
      %dma_start3A_27 = arith.constant 0 : i32
      %dma_start3A_28 = tpu.memref_slice %arg6[%mul3A_18, %dma_start3A_27] : memref<4096x64xf32, #tpu.memory_space<hbm>> -> memref<128x64xf32, #tpu.memory_space<hbm>>
      tpu.enqueue_dma source(%arg10 : memref<128x64xf32, #tpu.memory_space<vmem>>) target(%dma_start3A_28 : memref<128x64xf32, #tpu.memory_space<hbm>>) target_semaphore(%run_scoped3A : memref<!tpu.dma_semaphore, #tpu.memory_space<semaphore_mem>>)
      %dma_wait3A_29 = arith.constant 0 : i32
      %dma_wait3A_30 = tpu.memref_slice %arg6[%mul3A_18, %dma_wait3A_29] : memref<4096x64xf32, #tpu.memory_space<hbm>> -> memref<128x64xf32, #tpu.memory_space<hbm>>
      %dma_wait3A_31 = arith.constant 0 : i32
      %dma_wait3A_32 = tpu.memref_slice %arg6[%mul3A_18, %dma_wait3A_31] : memref<4096x64xf32, #tpu.memory_space<hbm>> -> memref<128x64xf32, #tpu.memory_space<hbm>>
      tpu.wait_dma2 semaphore(%run_scoped3A : memref<!tpu.dma_semaphore, #tpu.memory_space<semaphore_mem>>) src(%arg10 : memref<128x64xf32, #tpu.memory_space<vmem>>) dst(%dma_wait3A_32 : memref<128x64xf32, #tpu.memory_space<hbm>>)
      tpu.yield
    }) : () -> ()
    %mul3A_19 = arith.constant 128 : i32
    %mul3A_20 = arith.muli %add3A, %mul3A_19 : i32
    "tpu.region"() ({
      %run_scoped3A = tpu.sem_alloc : memref<!tpu.dma_semaphore, #tpu.memory_space<semaphore_mem>>
      %dma_start3A_25 = arith.constant 0 : i32
      %dma_start3A_26 = tpu.memref_slice %arg2[%dma_start3A_25, %mul3A_20] : memref<50x4096xi32, #tpu.memory_space<hbm>> -> memref<50x128xi32, #tpu.memory_space<hbm>>
      %dma_start3A_27 = arith.constant 0 : i32
      %dma_start3A_28 = tpu.memref_slice %arg2[%dma_start3A_27, %mul3A_20] : memref<50x4096xi32, #tpu.memory_space<hbm>> -> memref<50x128xi32, #tpu.memory_space<hbm>>
      tpu.enqueue_dma source(%dma_start3A_28 : memref<50x128xi32, #tpu.memory_space<hbm>>) target(%arg7 : memref<50x128xi32, #tpu.memory_space<vmem>>) target_semaphore(%run_scoped3A : memref<!tpu.dma_semaphore, #tpu.memory_space<semaphore_mem>>)
      %dma_wait3A_29 = arith.constant 0 : i32
      %dma_wait3A_30 = tpu.memref_slice %arg2[%dma_wait3A_29, %mul3A_20] : memref<50x4096xi32, #tpu.memory_space<hbm>> -> memref<50x128xi32, #tpu.memory_space<hbm>>
      %dma_wait3A_31 = arith.constant 0 : i32
      %dma_wait3A_32 = tpu.memref_slice %arg2[%dma_wait3A_31, %mul3A_20] : memref<50x4096xi32, #tpu.memory_space<hbm>> -> memref<50x128xi32, #tpu.memory_space<hbm>>
      tpu.wait_dma2 semaphore(%run_scoped3A : memref<!tpu.dma_semaphore, #tpu.memory_space<semaphore_mem>>) src(%dma_wait3A_32 : memref<50x128xi32, #tpu.memory_space<hbm>>) dst(%arg7 : memref<50x128xi32, #tpu.memory_space<vmem>>)
      tpu.yield
    }) : () -> ()
    %scan3A = arith.constant 0 : i32
    %scan3A_21 = arith.constant 5 : i32
    %scan3A_22 = arith.addi %scan3A, %scan3A_21 : i32
    %scan3A_23 = arith.constant 1 : i32
    scf.for %scan3A_25 = %scan3A to %scan3A_22 step %scan3A_23  : i32 {
      %mul3A_26 = arith.constant 1 : i32
      %mul3A_27 = arith.muli %scan3A_25, %mul3A_26 : i32
      %add3A_28 = arith.constant 0 : i32
      %add3A_29 = arith.addi %add3A_28, %mul3A_27 : i32
      %mul3A_30 = arith.constant 10 : i32
      %mul3A_31 = arith.muli %add3A_29, %mul3A_30 : i32
      %add3A_32 = arith.constant 0 : i32
      %add3A_33 = arith.addi %mul3A_31, %add3A_32 : i32
      %dma_start3A_34 = arith.constant 0 : i32
      %dma_start3A_35 = arith.constant 0 : i32
      %dma_start3A_36 = tpu.memref_slice %arg8[%dma_start3A_34, %dma_start3A_35] : memref<1280x64xf32, #tpu.memory_space<vmem>> -> memref<128x64xf32, #tpu.memory_space<vmem>>
      %dma_start3A_37 = arith.constant 0 : i32
      %dma_start3A_38 = tpu.memref_slice %arg7[%add3A_33, %dma_start3A_37] : memref<50x128xi32, #tpu.memory_space<vmem>> -> memref<1x128xi32, #tpu.memory_space<vmem>>
      %dma_start3A_39 = tpu.memref_squeeze %dma_start3A_38 : memref<1x128xi32, #tpu.memory_space<vmem>> -> memref<128xi32, #tpu.memory_space<vmem>>
      %dma_start3A_40 = arith.constant 0 : i32
      %dma_start3A_41 = arith.constant 0 : i32
      %dma_start3A_42 = tpu.memref_slice %arg4[%dma_start3A_40, %dma_start3A_41] : memref<1015808x64xf32, #tpu.memory_space<hbm>> -> memref<1015808x64xf32, #tpu.memory_space<hbm>>
      tpu.enqueue_indirect_dma source(%dma_start3A_42 : memref<1015808x64xf32, #tpu.memory_space<hbm>>) target(%dma_start3A_36 : memref<128x64xf32, #tpu.memory_space<vmem>>) offsets(%dma_start3A_39 : memref<128xi32, #tpu.memory_space<vmem>>) semaphore(%arg11 : memref<!tpu.dma_semaphore, #tpu.memory_space<semaphore_mem>>)
      %mul3A_43 = arith.constant 10 : i32
      %mul3A_44 = arith.muli %add3A_29, %mul3A_43 : i32
      %add3A_45 = arith.constant 1 : i32
      %add3A_46 = arith.addi %mul3A_44, %add3A_45 : i32
      %dma_start3A_47 = arith.constant 128 : i32
      %dma_start3A_48 = arith.constant 0 : i32
      %dma_start3A_49 = tpu.memref_slice %arg8[%dma_start3A_47, %dma_start3A_48] : memref<1280x64xf32, #tpu.memory_space<vmem>> -> memref<128x64xf32, #tpu.memory_space<vmem>>
      %dma_start3A_50 = arith.constant 0 : i32
      %dma_start3A_51 = tpu.memref_slice %arg7[%add3A_46, %dma_start3A_50] : memref<50x128xi32, #tpu.memory_space<vmem>> -> memref<1x128xi32, #tpu.memory_space<vmem>>
      %dma_start3A_52 = tpu.memref_squeeze %dma_start3A_51 : memref<1x128xi32, #tpu.memory_space<vmem>> -> memref<128xi32, #tpu.memory_space<vmem>>
      %dma_start3A_53 = arith.constant 0 : i32
      %dma_start3A_54 = arith.constant 0 : i32
      %dma_start3A_55 = tpu.memref_slice %arg4[%dma_start3A_53, %dma_start3A_54] : memref<1015808x64xf32, #tpu.memory_space<hbm>> -> memref<1015808x64xf32, #tpu.memory_space<hbm>>
      tpu.enqueue_indirect_dma source(%dma_start3A_55 : memref<1015808x64xf32, #tpu.memory_space<hbm>>) target(%dma_start3A_49 : memref<128x64xf32, #tpu.memory_space<vmem>>) offsets(%dma_start3A_52 : memref<128xi32, #tpu.memory_space<vmem>>) semaphore(%arg11 : memref<!tpu.dma_semaphore, #tpu.memory_space<semaphore_mem>>)
      %mul3A_56 = arith.constant 10 : i32
      %mul3A_57 = arith.muli %add3A_29, %mul3A_56 : i32
      %add3A_58 = arith.constant 2 : i32
      %add3A_59 = arith.addi %mul3A_57, %add3A_58 : i32
      %dma_start3A_60 = arith.constant 256 : i32
      %dma_start3A_61 = arith.constant 0 : i32
      %dma_start3A_62 = tpu.memref_slice %arg8[%dma_start3A_60, %dma_start3A_61] : memref<1280x64xf32, #tpu.memory_space<vmem>> -> memref<128x64xf32, #tpu.memory_space<vmem>>
      %dma_start3A_63 = arith.constant 0 : i32
      %dma_start3A_64 = tpu.memref_slice %arg7[%add3A_59, %dma_start3A_63] : memref<50x128xi32, #tpu.memory_space<vmem>> -> memref<1x128xi32, #tpu.memory_space<vmem>>
      %dma_start3A_65 = tpu.memref_squeeze %dma_start3A_64 : memref<1x128xi32, #tpu.memory_space<vmem>> -> memref<128xi32, #tpu.memory_space<vmem>>
      %dma_start3A_66 = arith.constant 0 : i32
      %dma_start3A_67 = arith.constant 0 : i32
      %dma_start3A_68 = tpu.memref_slice %arg4[%dma_start3A_66, %dma_start3A_67] : memref<1015808x64xf32, #tpu.memory_space<hbm>> -> memref<1015808x64xf32, #tpu.memory_space<hbm>>
      tpu.enqueue_indirect_dma source(%dma_start3A_68 : memref<1015808x64xf32, #tpu.memory_space<hbm>>) target(%dma_start3A_62 : memref<128x64xf32, #tpu.memory_space<vmem>>) offsets(%dma_start3A_65 : memref<128xi32, #tpu.memory_space<vmem>>) semaphore(%arg11 : memref<!tpu.dma_semaphore, #tpu.memory_space<semaphore_mem>>)
      %mul3A_69 = arith.constant 10 : i32
      %mul3A_70 = arith.muli %add3A_29, %mul3A_69 : i32
      %add3A_71 = arith.constant 3 : i32
      %add3A_72 = arith.addi %mul3A_70, %add3A_71 : i32
      %dma_start3A_73 = arith.constant 384 : i32
      %dma_start3A_74 = arith.constant 0 : i32
      %dma_start3A_75 = tpu.memref_slice %arg8[%dma_start3A_73, %dma_start3A_74] : memref<1280x64xf32, #tpu.memory_space<vmem>> -> memref<128x64xf32, #tpu.memory_space<vmem>>
      %dma_start3A_76 = arith.constant 0 : i32
      %dma_start3A_77 = tpu.memref_slice %arg7[%add3A_72, %dma_start3A_76] : memref<50x128xi32, #tpu.memory_space<vmem>> -> memref<1x128xi32, #tpu.memory_space<vmem>>
      %dma_start3A_78 = tpu.memref_squeeze %dma_start3A_77 : memref<1x128xi32, #tpu.memory_space<vmem>> -> memref<128xi32, #tpu.memory_space<vmem>>
      %dma_start3A_79 = arith.constant 0 : i32
      %dma_start3A_80 = arith.constant 0 : i32
      %dma_start3A_81 = tpu.memref_slice %arg4[%dma_start3A_79, %dma_start3A_80] : memref<1015808x64xf32, #tpu.memory_space<hbm>> -> memref<1015808x64xf32, #tpu.memory_space<hbm>>
      tpu.enqueue_indirect_dma source(%dma_start3A_81 : memref<1015808x64xf32, #tpu.memory_space<hbm>>) target(%dma_start3A_75 : memref<128x64xf32, #tpu.memory_space<vmem>>) offsets(%dma_start3A_78 : memref<128xi32, #tpu.memory_space<vmem>>) semaphore(%arg11 : memref<!tpu.dma_semaphore, #tpu.memory_space<semaphore_mem>>)
      %mul3A_82 = arith.constant 10 : i32
      %mul3A_83 = arith.muli %add3A_29, %mul3A_82 : i32
      %add3A_84 = arith.constant 4 : i32
      %add3A_85 = arith.addi %mul3A_83, %add3A_84 : i32
      %dma_start3A_86 = arith.constant 512 : i32
      %dma_start3A_87 = arith.constant 0 : i32
      %dma_start3A_88 = tpu.memref_slice %arg8[%dma_start3A_86, %dma_start3A_87] : memref<1280x64xf32, #tpu.memory_space<vmem>> -> memref<128x64xf32, #tpu.memory_space<vmem>>
      %dma_start3A_89 = arith.constant 0 : i32
      %dma_start3A_90 = tpu.memref_slice %arg7[%add3A_85, %dma_start3A_89] : memref<50x128xi32, #tpu.memory_space<vmem>> -> memref<1x128xi32, #tpu.memory_space<vmem>>
      %dma_start3A_91 = tpu.memref_squeeze %dma_start3A_90 : memref<1x128xi32, #tpu.memory_space<vmem>> -> memref<128xi32, #tpu.memory_space<vmem>>
      %dma_start3A_92 = arith.constant 0 : i32
      %dma_start3A_93 = arith.constant 0 : i32
      %dma_start3A_94 = tpu.memref_slice %arg4[%dma_start3A_92, %dma_start3A_93] : memref<1015808x64xf32, #tpu.memory_space<hbm>> -> memref<1015808x64xf32, #tpu.memory_space<hbm>>
      tpu.enqueue_indirect_dma source(%dma_start3A_94 : memref<1015808x64xf32, #tpu.memory_space<hbm>>) target(%dma_start3A_88 : memref<128x64xf32, #tpu.memory_space<vmem>>) offsets(%dma_start3A_91 : memref<128xi32, #tpu.memory_space<vmem>>) semaphore(%arg11 : memref<!tpu.dma_semaphore, #tpu.memory_space<semaphore_mem>>)
      %mul3A_95 = arith.constant 10 : i32
      %mul3A_96 = arith.muli %add3A_29, %mul3A_95 : i32
      %add3A_97 = arith.constant 5 : i32
      %add3A_98 = arith.addi %mul3A_96, %add3A_97 : i32
      %dma_start3A_99 = arith.constant 640 : i32
      %dma_start3A_100 = arith.constant 0 : i32
      %dma_start3A_101 = tpu.memref_slice %arg8[%dma_start3A_99, %dma_start3A_100] : memref<1280x64xf32, #tpu.memory_space<vmem>> -> memref<128x64xf32, #tpu.memory_space<vmem>>
      %dma_start3A_102 = arith.constant 0 : i32
      %dma_start3A_103 = tpu.memref_slice %arg7[%add3A_98, %dma_start3A_102] : memref<50x128xi32, #tpu.memory_space<vmem>> -> memref<1x128xi32, #tpu.memory_space<vmem>>
      %dma_start3A_104 = tpu.memref_squeeze %dma_start3A_103 : memref<1x128xi32, #tpu.memory_space<vmem>> -> memref<128xi32, #tpu.memory_space<vmem>>
      %dma_start3A_105 = arith.constant 0 : i32
      %dma_start3A_106 = arith.constant 0 : i32
      %dma_start3A_107 = tpu.memref_slice %arg4[%dma_start3A_105, %dma_start3A_106] : memref<1015808x64xf32, #tpu.memory_space<hbm>> -> memref<1015808x64xf32, #tpu.memory_space<hbm>>
      tpu.enqueue_indirect_dma source(%dma_start3A_107 : memref<1015808x64xf32, #tpu.memory_space<hbm>>) target(%dma_start3A_101 : memref<128x64xf32, #tpu.memory_space<vmem>>) offsets(%dma_start3A_104 : memref<128xi32, #tpu.memory_space<vmem>>) semaphore(%arg11 : memref<!tpu.dma_semaphore, #tpu.memory_space<semaphore_mem>>)
      %mul3A_108 = arith.constant 10 : i32
      %mul3A_109 = arith.muli %add3A_29, %mul3A_108 : i32
      %add3A_110 = arith.constant 6 : i32
      %add3A_111 = arith.addi %mul3A_109, %add3A_110 : i32
      %dma_start3A_112 = arith.constant 768 : i32
      %dma_start3A_113 = arith.constant 0 : i32
      %dma_start3A_114 = tpu.memref_slice %arg8[%dma_start3A_112, %dma_start3A_113] : memref<1280x64xf32, #tpu.memory_space<vmem>> -> memref<128x64xf32, #tpu.memory_space<vmem>>
      %dma_start3A_115 = arith.constant 0 : i32
      %dma_start3A_116 = tpu.memref_slice %arg7[%add3A_111, %dma_start3A_115] : memref<50x128xi32, #tpu.memory_space<vmem>> -> memref<1x128xi32, #tpu.memory_space<vmem>>
      %dma_start3A_117 = tpu.memref_squeeze %dma_start3A_116 : memref<1x128xi32, #tpu.memory_space<vmem>> -> memref<128xi32, #tpu.memory_space<vmem>>
      %dma_start3A_118 = arith.constant 0 : i32
      %dma_start3A_119 = arith.constant 0 : i32
      %dma_start3A_120 = tpu.memref_slice %arg4[%dma_start3A_118, %dma_start3A_119] : memref<1015808x64xf32, #tpu.memory_space<hbm>> -> memref<1015808x64xf32, #tpu.memory_space<hbm>>
      tpu.enqueue_indirect_dma source(%dma_start3A_120 : memref<1015808x64xf32, #tpu.memory_space<hbm>>) target(%dma_start3A_114 : memref<128x64xf32, #tpu.memory_space<vmem>>) offsets(%dma_start3A_117 : memref<128xi32, #tpu.memory_space<vmem>>) semaphore(%arg11 : memref<!tpu.dma_semaphore, #tpu.memory_space<semaphore_mem>>)
      %mul3A_121 = arith.constant 10 : i32
      %mul3A_122 = arith.muli %add3A_29, %mul3A_121 : i32
      %add3A_123 = arith.constant 7 : i32
      %add3A_124 = arith.addi %mul3A_122, %add3A_123 : i32
      %dma_start3A_125 = arith.constant 896 : i32
      %dma_start3A_126 = arith.constant 0 : i32
      %dma_start3A_127 = tpu.memref_slice %arg8[%dma_start3A_125, %dma_start3A_126] : memref<1280x64xf32, #tpu.memory_space<vmem>> -> memref<128x64xf32, #tpu.memory_space<vmem>>
      %dma_start3A_128 = arith.constant 0 : i32
      %dma_start3A_129 = tpu.memref_slice %arg7[%add3A_124, %dma_start3A_128] : memref<50x128xi32, #tpu.memory_space<vmem>> -> memref<1x128xi32, #tpu.memory_space<vmem>>
      %dma_start3A_130 = tpu.memref_squeeze %dma_start3A_129 : memref<1x128xi32, #tpu.memory_space<vmem>> -> memref<128xi32, #tpu.memory_space<vmem>>
      %dma_start3A_131 = arith.constant 0 : i32
      %dma_start3A_132 = arith.constant 0 : i32
      %dma_start3A_133 = tpu.memref_slice %arg4[%dma_start3A_131, %dma_start3A_132] : memref<1015808x64xf32, #tpu.memory_space<hbm>> -> memref<1015808x64xf32, #tpu.memory_space<hbm>>
      tpu.enqueue_indirect_dma source(%dma_start3A_133 : memref<1015808x64xf32, #tpu.memory_space<hbm>>) target(%dma_start3A_127 : memref<128x64xf32, #tpu.memory_space<vmem>>) offsets(%dma_start3A_130 : memref<128xi32, #tpu.memory_space<vmem>>) semaphore(%arg11 : memref<!tpu.dma_semaphore, #tpu.memory_space<semaphore_mem>>)
      %mul3A_134 = arith.constant 10 : i32
      %mul3A_135 = arith.muli %add3A_29, %mul3A_134 : i32
      %add3A_136 = arith.constant 8 : i32
      %add3A_137 = arith.addi %mul3A_135, %add3A_136 : i32
      %dma_start3A_138 = arith.constant 1024 : i32
      %dma_start3A_139 = arith.constant 0 : i32
      %dma_start3A_140 = tpu.memref_slice %arg8[%dma_start3A_138, %dma_start3A_139] : memref<1280x64xf32, #tpu.memory_space<vmem>> -> memref<128x64xf32, #tpu.memory_space<vmem>>
      %dma_start3A_141 = arith.constant 0 : i32
      %dma_start3A_142 = tpu.memref_slice %arg7[%add3A_137, %dma_start3A_141] : memref<50x128xi32, #tpu.memory_space<vmem>> -> memref<1x128xi32, #tpu.memory_space<vmem>>
      %dma_start3A_143 = tpu.memref_squeeze %dma_start3A_142 : memref<1x128xi32, #tpu.memory_space<vmem>> -> memref<128xi32, #tpu.memory_space<vmem>>
      %dma_start3A_144 = arith.constant 0 : i32
      %dma_start3A_145 = arith.constant 0 : i32
      %dma_start3A_146 = tpu.memref_slice %arg4[%dma_start3A_144, %dma_start3A_145] : memref<1015808x64xf32, #tpu.memory_space<hbm>> -> memref<1015808x64xf32, #tpu.memory_space<hbm>>
      tpu.enqueue_indirect_dma source(%dma_start3A_146 : memref<1015808x64xf32, #tpu.memory_space<hbm>>) target(%dma_start3A_140 : memref<128x64xf32, #tpu.memory_space<vmem>>) offsets(%dma_start3A_143 : memref<128xi32, #tpu.memory_space<vmem>>) semaphore(%arg11 : memref<!tpu.dma_semaphore, #tpu.memory_space<semaphore_mem>>)
      %mul3A_147 = arith.constant 10 : i32
      %mul3A_148 = arith.muli %add3A_29, %mul3A_147 : i32
      %add3A_149 = arith.constant 9 : i32
      %add3A_150 = arith.addi %mul3A_148, %add3A_149 : i32
      %dma_start3A_151 = arith.constant 1152 : i32
      %dma_start3A_152 = arith.constant 0 : i32
      %dma_start3A_153 = tpu.memref_slice %arg8[%dma_start3A_151, %dma_start3A_152] : memref<1280x64xf32, #tpu.memory_space<vmem>> -> memref<128x64xf32, #tpu.memory_space<vmem>>
      %dma_start3A_154 = arith.constant 0 : i32
      %dma_start3A_155 = tpu.memref_slice %arg7[%add3A_150, %dma_start3A_154] : memref<50x128xi32, #tpu.memory_space<vmem>> -> memref<1x128xi32, #tpu.memory_space<vmem>>
      %dma_start3A_156 = tpu.memref_squeeze %dma_start3A_155 : memref<1x128xi32, #tpu.memory_space<vmem>> -> memref<128xi32, #tpu.memory_space<vmem>>
      %dma_start3A_157 = arith.constant 0 : i32
      %dma_start3A_158 = arith.constant 0 : i32
      %dma_start3A_159 = tpu.memref_slice %arg4[%dma_start3A_157, %dma_start3A_158] : memref<1015808x64xf32, #tpu.memory_space<hbm>> -> memref<1015808x64xf32, #tpu.memory_space<hbm>>
      tpu.enqueue_indirect_dma source(%dma_start3A_159 : memref<1015808x64xf32, #tpu.memory_space<hbm>>) target(%dma_start3A_153 : memref<128x64xf32, #tpu.memory_space<vmem>>) offsets(%dma_start3A_156 : memref<128xi32, #tpu.memory_space<vmem>>) semaphore(%arg11 : memref<!tpu.dma_semaphore, #tpu.memory_space<semaphore_mem>>)
      %dma_wait3A_160 = arith.constant 0 : i32
      %dma_wait3A_161 = arith.constant 0 : i32
      %dma_wait3A_162 = tpu.memref_slice %arg8[%dma_wait3A_160, %dma_wait3A_161] : memref<1280x64xf32, #tpu.memory_space<vmem>> -> memref<128x64xf32, #tpu.memory_space<vmem>>
      %dma_wait3A_163 = arith.constant 0 : i32
      %dma_wait3A_164 = tpu.memref_slice %arg7[%add3A_33, %dma_wait3A_163] : memref<50x128xi32, #tpu.memory_space<vmem>> -> memref<1x128xi32, #tpu.memory_space<vmem>>
      %dma_wait3A_165 = tpu.memref_squeeze %dma_wait3A_164 : memref<1x128xi32, #tpu.memory_space<vmem>> -> memref<128xi32, #tpu.memory_space<vmem>>
      %dma_wait3A_166 = arith.constant 0 : i32
      %dma_wait3A_167 = arith.constant 0 : i32
      %dma_wait3A_168 = tpu.memref_slice %arg4[%dma_wait3A_166, %dma_wait3A_167] : memref<1015808x64xf32, #tpu.memory_space<hbm>> -> memref<1015808x64xf32, #tpu.memory_space<hbm>>
      tpu.wait_indirect_dma semaphore(%arg11 : memref<!tpu.dma_semaphore, #tpu.memory_space<semaphore_mem>>) src(%dma_wait3A_168 : memref<1015808x64xf32, #tpu.memory_space<hbm>>) dst(%dma_wait3A_162 : memref<128x64xf32, #tpu.memory_space<vmem>>)
      %dma_wait3A_169 = arith.constant 128 : i32
      %dma_wait3A_170 = arith.constant 0 : i32
      %dma_wait3A_171 = tpu.memref_slice %arg8[%dma_wait3A_169, %dma_wait3A_170] : memref<1280x64xf32, #tpu.memory_space<vmem>> -> memref<128x64xf32, #tpu.memory_space<vmem>>
      %dma_wait3A_172 = arith.constant 0 : i32
      %dma_wait3A_173 = tpu.memref_slice %arg7[%add3A_46, %dma_wait3A_172] : memref<50x128xi32, #tpu.memory_space<vmem>> -> memref<1x128xi32, #tpu.memory_space<vmem>>
      %dma_wait3A_174 = tpu.memref_squeeze %dma_wait3A_173 : memref<1x128xi32, #tpu.memory_space<vmem>> -> memref<128xi32, #tpu.memory_space<vmem>>
      %dma_wait3A_175 = arith.constant 0 : i32
      %dma_wait3A_176 = arith.constant 0 : i32
      %dma_wait3A_177 = tpu.memref_slice %arg4[%dma_wait3A_175, %dma_wait3A_176] : memref<1015808x64xf32, #tpu.memory_space<hbm>> -> memref<1015808x64xf32, #tpu.memory_space<hbm>>
      tpu.wait_indirect_dma semaphore(%arg11 : memref<!tpu.dma_semaphore, #tpu.memory_space<semaphore_mem>>) src(%dma_wait3A_177 : memref<1015808x64xf32, #tpu.memory_space<hbm>>) dst(%dma_wait3A_171 : memref<128x64xf32, #tpu.memory_space<vmem>>)
      %dma_wait3A_178 = arith.constant 256 : i32
      %dma_wait3A_179 = arith.constant 0 : i32
      %dma_wait3A_180 = tpu.memref_slice %arg8[%dma_wait3A_178, %dma_wait3A_179] : memref<1280x64xf32, #tpu.memory_space<vmem>> -> memref<128x64xf32, #tpu.memory_space<vmem>>
      %dma_wait3A_181 = arith.constant 0 : i32
      %dma_wait3A_182 = tpu.memref_slice %arg7[%add3A_59, %dma_wait3A_181] : memref<50x128xi32, #tpu.memory_space<vmem>> -> memref<1x128xi32, #tpu.memory_space<vmem>>
      %dma_wait3A_183 = tpu.memref_squeeze %dma_wait3A_182 : memref<1x128xi32, #tpu.memory_space<vmem>> -> memref<128xi32, #tpu.memory_space<vmem>>
      %dma_wait3A_184 = arith.constant 0 : i32
      %dma_wait3A_185 = arith.constant 0 : i32
      %dma_wait3A_186 = tpu.memref_slice %arg4[%dma_wait3A_184, %dma_wait3A_185] : memref<1015808x64xf32, #tpu.memory_space<hbm>> -> memref<1015808x64xf32, #tpu.memory_space<hbm>>
      tpu.wait_indirect_dma semaphore(%arg11 : memref<!tpu.dma_semaphore, #tpu.memory_space<semaphore_mem>>) src(%dma_wait3A_186 : memref<1015808x64xf32, #tpu.memory_space<hbm>>) dst(%dma_wait3A_180 : memref<128x64xf32, #tpu.memory_space<vmem>>)
      %dma_wait3A_187 = arith.constant 384 : i32
      %dma_wait3A_188 = arith.constant 0 : i32
      %dma_wait3A_189 = tpu.memref_slice %arg8[%dma_wait3A_187, %dma_wait3A_188] : memref<1280x64xf32, #tpu.memory_space<vmem>> -> memref<128x64xf32, #tpu.memory_space<vmem>>
      %dma_wait3A_190 = arith.constant 0 : i32
      %dma_wait3A_191 = tpu.memref_slice %arg7[%add3A_72, %dma_wait3A_190] : memref<50x128xi32, #tpu.memory_space<vmem>> -> memref<1x128xi32, #tpu.memory_space<vmem>>
      %dma_wait3A_192 = tpu.memref_squeeze %dma_wait3A_191 : memref<1x128xi32, #tpu.memory_space<vmem>> -> memref<128xi32, #tpu.memory_space<vmem>>
      %dma_wait3A_193 = arith.constant 0 : i32
      %dma_wait3A_194 = arith.constant 0 : i32
      %dma_wait3A_195 = tpu.memref_slice %arg4[%dma_wait3A_193, %dma_wait3A_194] : memref<1015808x64xf32, #tpu.memory_space<hbm>> -> memref<1015808x64xf32, #tpu.memory_space<hbm>>
      tpu.wait_indirect_dma semaphore(%arg11 : memref<!tpu.dma_semaphore, #tpu.memory_space<semaphore_mem>>) src(%dma_wait3A_195 : memref<1015808x64xf32, #tpu.memory_space<hbm>>) dst(%dma_wait3A_189 : memref<128x64xf32, #tpu.memory_space<vmem>>)
      %dma_wait3A_196 = arith.constant 512 : i32
      %dma_wait3A_197 = arith.constant 0 : i32
      %dma_wait3A_198 = tpu.memref_slice %arg8[%dma_wait3A_196, %dma_wait3A_197] : memref<1280x64xf32, #tpu.memory_space<vmem>> -> memref<128x64xf32, #tpu.memory_space<vmem>>
      %dma_wait3A_199 = arith.constant 0 : i32
      %dma_wait3A_200 = tpu.memref_slice %arg7[%add3A_85, %dma_wait3A_199] : memref<50x128xi32, #tpu.memory_space<vmem>> -> memref<1x128xi32, #tpu.memory_space<vmem>>
      %dma_wait3A_201 = tpu.memref_squeeze %dma_wait3A_200 : memref<1x128xi32, #tpu.memory_space<vmem>> -> memref<128xi32, #tpu.memory_space<vmem>>
      %dma_wait3A_202 = arith.constant 0 : i32
      %dma_wait3A_203 = arith.constant 0 : i32
      %dma_wait3A_204 = tpu.memref_slice %arg4[%dma_wait3A_202, %dma_wait3A_203] : memref<1015808x64xf32, #tpu.memory_space<hbm>> -> memref<1015808x64xf32, #tpu.memory_space<hbm>>
      tpu.wait_indirect_dma semaphore(%arg11 : memref<!tpu.dma_semaphore, #tpu.memory_space<semaphore_mem>>) src(%dma_wait3A_204 : memref<1015808x64xf32, #tpu.memory_space<hbm>>) dst(%dma_wait3A_198 : memref<128x64xf32, #tpu.memory_space<vmem>>)
      %dma_wait3A_205 = arith.constant 640 : i32
      %dma_wait3A_206 = arith.constant 0 : i32
      %dma_wait3A_207 = tpu.memref_slice %arg8[%dma_wait3A_205, %dma_wait3A_206] : memref<1280x64xf32, #tpu.memory_space<vmem>> -> memref<128x64xf32, #tpu.memory_space<vmem>>
      %dma_wait3A_208 = arith.constant 0 : i32
      %dma_wait3A_209 = tpu.memref_slice %arg7[%add3A_98, %dma_wait3A_208] : memref<50x128xi32, #tpu.memory_space<vmem>> -> memref<1x128xi32, #tpu.memory_space<vmem>>
      %dma_wait3A_210 = tpu.memref_squeeze %dma_wait3A_209 : memref<1x128xi32, #tpu.memory_space<vmem>> -> memref<128xi32, #tpu.memory_space<vmem>>
      %dma_wait3A_211 = arith.constant 0 : i32
      %dma_wait3A_212 = arith.constant 0 : i32
      %dma_wait3A_213 = tpu.memref_slice %arg4[%dma_wait3A_211, %dma_wait3A_212] : memref<1015808x64xf32, #tpu.memory_space<hbm>> -> memref<1015808x64xf32, #tpu.memory_space<hbm>>
      tpu.wait_indirect_dma semaphore(%arg11 : memref<!tpu.dma_semaphore, #tpu.memory_space<semaphore_mem>>) src(%dma_wait3A_213 : memref<1015808x64xf32, #tpu.memory_space<hbm>>) dst(%dma_wait3A_207 : memref<128x64xf32, #tpu.memory_space<vmem>>)
      %dma_wait3A_214 = arith.constant 768 : i32
      %dma_wait3A_215 = arith.constant 0 : i32
      %dma_wait3A_216 = tpu.memref_slice %arg8[%dma_wait3A_214, %dma_wait3A_215] : memref<1280x64xf32, #tpu.memory_space<vmem>> -> memref<128x64xf32, #tpu.memory_space<vmem>>
      %dma_wait3A_217 = arith.constant 0 : i32
      %dma_wait3A_218 = tpu.memref_slice %arg7[%add3A_111, %dma_wait3A_217] : memref<50x128xi32, #tpu.memory_space<vmem>> -> memref<1x128xi32, #tpu.memory_space<vmem>>
      %dma_wait3A_219 = tpu.memref_squeeze %dma_wait3A_218 : memref<1x128xi32, #tpu.memory_space<vmem>> -> memref<128xi32, #tpu.memory_space<vmem>>
      %dma_wait3A_220 = arith.constant 0 : i32
      %dma_wait3A_221 = arith.constant 0 : i32
      %dma_wait3A_222 = tpu.memref_slice %arg4[%dma_wait3A_220, %dma_wait3A_221] : memref<1015808x64xf32, #tpu.memory_space<hbm>> -> memref<1015808x64xf32, #tpu.memory_space<hbm>>
      tpu.wait_indirect_dma semaphore(%arg11 : memref<!tpu.dma_semaphore, #tpu.memory_space<semaphore_mem>>) src(%dma_wait3A_222 : memref<1015808x64xf32, #tpu.memory_space<hbm>>) dst(%dma_wait3A_216 : memref<128x64xf32, #tpu.memory_space<vmem>>)
      %dma_wait3A_223 = arith.constant 896 : i32
      %dma_wait3A_224 = arith.constant 0 : i32
      %dma_wait3A_225 = tpu.memref_slice %arg8[%dma_wait3A_223, %dma_wait3A_224] : memref<1280x64xf32, #tpu.memory_space<vmem>> -> memref<128x64xf32, #tpu.memory_space<vmem>>
      %dma_wait3A_226 = arith.constant 0 : i32
      %dma_wait3A_227 = tpu.memref_slice %arg7[%add3A_124, %dma_wait3A_226] : memref<50x128xi32, #tpu.memory_space<vmem>> -> memref<1x128xi32, #tpu.memory_space<vmem>>
      %dma_wait3A_228 = tpu.memref_squeeze %dma_wait3A_227 : memref<1x128xi32, #tpu.memory_space<vmem>> -> memref<128xi32, #tpu.memory_space<vmem>>
      %dma_wait3A_229 = arith.constant 0 : i32
      %dma_wait3A_230 = arith.constant 0 : i32
      %dma_wait3A_231 = tpu.memref_slice %arg4[%dma_wait3A_229, %dma_wait3A_230] : memref<1015808x64xf32, #tpu.memory_space<hbm>> -> memref<1015808x64xf32, #tpu.memory_space<hbm>>
      tpu.wait_indirect_dma semaphore(%arg11 : memref<!tpu.dma_semaphore, #tpu.memory_space<semaphore_mem>>) src(%dma_wait3A_231 : memref<1015808x64xf32, #tpu.memory_space<hbm>>) dst(%dma_wait3A_225 : memref<128x64xf32, #tpu.memory_space<vmem>>)
      %dma_wait3A_232 = arith.constant 1024 : i32
      %dma_wait3A_233 = arith.constant 0 : i32
      %dma_wait3A_234 = tpu.memref_slice %arg8[%dma_wait3A_232, %dma_wait3A_233] : memref<1280x64xf32, #tpu.memory_space<vmem>> -> memref<128x64xf32, #tpu.memory_space<vmem>>
      %dma_wait3A_235 = arith.constant 0 : i32
      %dma_wait3A_236 = tpu.memref_slice %arg7[%add3A_137, %dma_wait3A_235] : memref<50x128xi32, #tpu.memory_space<vmem>> -> memref<1x128xi32, #tpu.memory_space<vmem>>
      %dma_wait3A_237 = tpu.memref_squeeze %dma_wait3A_236 : memref<1x128xi32, #tpu.memory_space<vmem>> -> memref<128xi32, #tpu.memory_space<vmem>>
      %dma_wait3A_238 = arith.constant 0 : i32
      %dma_wait3A_239 = arith.constant 0 : i32
      %dma_wait3A_240 = tpu.memref_slice %arg4[%dma_wait3A_238, %dma_wait3A_239] : memref<1015808x64xf32, #tpu.memory_space<hbm>> -> memref<1015808x64xf32, #tpu.memory_space<hbm>>
      tpu.wait_indirect_dma semaphore(%arg11 : memref<!tpu.dma_semaphore, #tpu.memory_space<semaphore_mem>>) src(%dma_wait3A_240 : memref<1015808x64xf32, #tpu.memory_space<hbm>>) dst(%dma_wait3A_234 : memref<128x64xf32, #tpu.memory_space<vmem>>)
      %dma_wait3A_241 = arith.constant 1152 : i32
      %dma_wait3A_242 = arith.constant 0 : i32
      %dma_wait3A_243 = tpu.memref_slice %arg8[%dma_wait3A_241, %dma_wait3A_242] : memref<1280x64xf32, #tpu.memory_space<vmem>> -> memref<128x64xf32, #tpu.memory_space<vmem>>
      %dma_wait3A_244 = arith.constant 0 : i32
      %dma_wait3A_245 = tpu.memref_slice %arg7[%add3A_150, %dma_wait3A_244] : memref<50x128xi32, #tpu.memory_space<vmem>> -> memref<1x128xi32, #tpu.memory_space<vmem>>
      %dma_wait3A_246 = tpu.memref_squeeze %dma_wait3A_245 : memref<1x128xi32, #tpu.memory_space<vmem>> -> memref<128xi32, #tpu.memory_space<vmem>>
      %dma_wait3A_247 = arith.constant 0 : i32
      %dma_wait3A_248 = arith.constant 0 : i32
      %dma_wait3A_249 = tpu.memref_slice %arg4[%dma_wait3A_247, %dma_wait3A_248] : memref<1015808x64xf32, #tpu.memory_space<hbm>> -> memref<1015808x64xf32, #tpu.memory_space<hbm>>
      tpu.wait_indirect_dma semaphore(%arg11 : memref<!tpu.dma_semaphore, #tpu.memory_space<semaphore_mem>>) src(%dma_wait3A_249 : memref<1015808x64xf32, #tpu.memory_space<hbm>>) dst(%dma_wait3A_243 : memref<128x64xf32, #tpu.memory_space<vmem>>)
      %mul3A_250 = arith.constant 10 : i32
      %mul3A_251 = arith.muli %add3A_29, %mul3A_250 : i32
      %add3A_252 = arith.constant 0 : i32
      %add3A_253 = arith.addi %mul3A_251, %add3A_252 : i32
      %mul3A_254 = arith.constant 4096 : i32
      %mul3A_255 = arith.muli %add3A_253, %mul3A_254 : i32
      %mul3A_256 = arith.constant 128 : i32
      %mul3A_257 = arith.muli %add3A, %mul3A_256 : i32
      %add3A_258 = arith.addi %mul3A_255, %mul3A_257 : i32
      "tpu.region"() ({
        %run_scoped3A = tpu.sem_alloc : memref<!tpu.dma_semaphore, #tpu.memory_space<semaphore_mem>>
        %dma_start3A_340 = arith.constant 0 : i32
        %dma_start3A_341 = arith.constant 0 : i32
        %dma_start3A_342 = tpu.memref_slice %arg8[%dma_start3A_340, %dma_start3A_341] : memref<1280x64xf32, #tpu.memory_space<vmem>> -> memref<128x64xf32, #tpu.memory_space<vmem>>
        %dma_start3A_343 = arith.constant 0 : i32
        %dma_start3A_344 = tpu.memref_slice %arg5[%add3A_258, %dma_start3A_343] : memref<204800x64xf32, #tpu.memory_space<hbm>> -> memref<128x64xf32, #tpu.memory_space<hbm>>
        %dma_start3A_345 = arith.constant 0 : i32
        %dma_start3A_346 = tpu.memref_slice %arg5[%add3A_258, %dma_start3A_345] : memref<204800x64xf32, #tpu.memory_space<hbm>> -> memref<128x64xf32, #tpu.memory_space<hbm>>
        %dma_start3A_347 = arith.constant 0 : i32
        %dma_start3A_348 = arith.constant 0 : i32
        %dma_start3A_349 = tpu.memref_slice %arg8[%dma_start3A_347, %dma_start3A_348] : memref<1280x64xf32, #tpu.memory_space<vmem>> -> memref<128x64xf32, #tpu.memory_space<vmem>>
        tpu.enqueue_dma source(%dma_start3A_349 : memref<128x64xf32, #tpu.memory_space<vmem>>) target(%dma_start3A_346 : memref<128x64xf32, #tpu.memory_space<hbm>>) target_semaphore(%run_scoped3A : memref<!tpu.dma_semaphore, #tpu.memory_space<semaphore_mem>>)
        %dma_wait3A_350 = arith.constant 0 : i32
        %dma_wait3A_351 = arith.constant 0 : i32
        %dma_wait3A_352 = tpu.memref_slice %arg8[%dma_wait3A_350, %dma_wait3A_351] : memref<1280x64xf32, #tpu.memory_space<vmem>> -> memref<128x64xf32, #tpu.memory_space<vmem>>
        %dma_wait3A_353 = arith.constant 0 : i32
        %dma_wait3A_354 = tpu.memref_slice %arg5[%add3A_258, %dma_wait3A_353] : memref<204800x64xf32, #tpu.memory_space<hbm>> -> memref<128x64xf32, #tpu.memory_space<hbm>>
        %dma_wait3A_355 = arith.constant 0 : i32
        %dma_wait3A_356 = tpu.memref_slice %arg5[%add3A_258, %dma_wait3A_355] : memref<204800x64xf32, #tpu.memory_space<hbm>> -> memref<128x64xf32, #tpu.memory_space<hbm>>
        %dma_wait3A_357 = arith.constant 0 : i32
        %dma_wait3A_358 = arith.constant 0 : i32
        %dma_wait3A_359 = tpu.memref_slice %arg8[%dma_wait3A_357, %dma_wait3A_358] : memref<1280x64xf32, #tpu.memory_space<vmem>> -> memref<128x64xf32, #tpu.memory_space<vmem>>
        tpu.wait_dma2 semaphore(%run_scoped3A : memref<!tpu.dma_semaphore, #tpu.memory_space<semaphore_mem>>) src(%dma_wait3A_359 : memref<128x64xf32, #tpu.memory_space<vmem>>) dst(%dma_wait3A_356 : memref<128x64xf32, #tpu.memory_space<hbm>>)
        tpu.yield
      }) : () -> ()
      %mul3A_259 = arith.constant 10 : i32
      %mul3A_260 = arith.muli %add3A_29, %mul3A_259 : i32
      %add3A_261 = arith.constant 1 : i32
      %add3A_262 = arith.addi %mul3A_260, %add3A_261 : i32
      %mul3A_263 = arith.constant 4096 : i32
      %mul3A_264 = arith.muli %add3A_262, %mul3A_263 : i32
      %mul3A_265 = arith.constant 128 : i32
      %mul3A_266 = arith.muli %add3A, %mul3A_265 : i32
      %add3A_267 = arith.addi %mul3A_264, %mul3A_266 : i32
      "tpu.region"() ({
        %run_scoped3A = tpu.sem_alloc : memref<!tpu.dma_semaphore, #tpu.memory_space<semaphore_mem>>
        %dma_start3A_340 = arith.constant 128 : i32
        %dma_start3A_341 = arith.constant 0 : i32
        %dma_start3A_342 = tpu.memref_slice %arg8[%dma_start3A_340, %dma_start3A_341] : memref<1280x64xf32, #tpu.memory_space<vmem>> -> memref<128x64xf32, #tpu.memory_space<vmem>>
        %dma_start3A_343 = arith.constant 0 : i32
        %dma_start3A_344 = tpu.memref_slice %arg5[%add3A_267, %dma_start3A_343] : memref<204800x64xf32, #tpu.memory_space<hbm>> -> memref<128x64xf32, #tpu.memory_space<hbm>>
        %dma_start3A_345 = arith.constant 0 : i32
        %dma_start3A_346 = tpu.memref_slice %arg5[%add3A_267, %dma_start3A_345] : memref<204800x64xf32, #tpu.memory_space<hbm>> -> memref<128x64xf32, #tpu.memory_space<hbm>>
        %dma_start3A_347 = arith.constant 128 : i32
        %dma_start3A_348 = arith.constant 0 : i32
        %dma_start3A_349 = tpu.memref_slice %arg8[%dma_start3A_347, %dma_start3A_348] : memref<1280x64xf32, #tpu.memory_space<vmem>> -> memref<128x64xf32, #tpu.memory_space<vmem>>
        tpu.enqueue_dma source(%dma_start3A_349 : memref<128x64xf32, #tpu.memory_space<vmem>>) target(%dma_start3A_346 : memref<128x64xf32, #tpu.memory_space<hbm>>) target_semaphore(%run_scoped3A : memref<!tpu.dma_semaphore, #tpu.memory_space<semaphore_mem>>)
        %dma_wait3A_350 = arith.constant 128 : i32
        %dma_wait3A_351 = arith.constant 0 : i32
        %dma_wait3A_352 = tpu.memref_slice %arg8[%dma_wait3A_350, %dma_wait3A_351] : memref<1280x64xf32, #tpu.memory_space<vmem>> -> memref<128x64xf32, #tpu.memory_space<vmem>>
        %dma_wait3A_353 = arith.constant 0 : i32
        %dma_wait3A_354 = tpu.memref_slice %arg5[%add3A_267, %dma_wait3A_353] : memref<204800x64xf32, #tpu.memory_space<hbm>> -> memref<128x64xf32, #tpu.memory_space<hbm>>
        %dma_wait3A_355 = arith.constant 0 : i32
        %dma_wait3A_356 = tpu.memref_slice %arg5[%add3A_267, %dma_wait3A_355] : memref<204800x64xf32, #tpu.memory_space<hbm>> -> memref<128x64xf32, #tpu.memory_space<hbm>>
        %dma_wait3A_357 = arith.constant 128 : i32
        %dma_wait3A_358 = arith.constant 0 : i32
        %dma_wait3A_359 = tpu.memref_slice %arg8[%dma_wait3A_357, %dma_wait3A_358] : memref<1280x64xf32, #tpu.memory_space<vmem>> -> memref<128x64xf32, #tpu.memory_space<vmem>>
        tpu.wait_dma2 semaphore(%run_scoped3A : memref<!tpu.dma_semaphore, #tpu.memory_space<semaphore_mem>>) src(%dma_wait3A_359 : memref<128x64xf32, #tpu.memory_space<vmem>>) dst(%dma_wait3A_356 : memref<128x64xf32, #tpu.memory_space<hbm>>)
        tpu.yield
      }) : () -> ()
      %mul3A_268 = arith.constant 10 : i32
      %mul3A_269 = arith.muli %add3A_29, %mul3A_268 : i32
      %add3A_270 = arith.constant 2 : i32
      %add3A_271 = arith.addi %mul3A_269, %add3A_270 : i32
      %mul3A_272 = arith.constant 4096 : i32
      %mul3A_273 = arith.muli %add3A_271, %mul3A_272 : i32
      %mul3A_274 = arith.constant 128 : i32
      %mul3A_275 = arith.muli %add3A, %mul3A_274 : i32
      %add3A_276 = arith.addi %mul3A_273, %mul3A_275 : i32
      "tpu.region"() ({
        %run_scoped3A = tpu.sem_alloc : memref<!tpu.dma_semaphore, #tpu.memory_space<semaphore_mem>>
        %dma_start3A_340 = arith.constant 256 : i32
        %dma_start3A_341 = arith.constant 0 : i32
        %dma_start3A_342 = tpu.memref_slice %arg8[%dma_start3A_340, %dma_start3A_341] : memref<1280x64xf32, #tpu.memory_space<vmem>> -> memref<128x64xf32, #tpu.memory_space<vmem>>
        %dma_start3A_343 = arith.constant 0 : i32
        %dma_start3A_344 = tpu.memref_slice %arg5[%add3A_276, %dma_start3A_343] : memref<204800x64xf32, #tpu.memory_space<hbm>> -> memref<128x64xf32, #tpu.memory_space<hbm>>
        %dma_start3A_345 = arith.constant 0 : i32
        %dma_start3A_346 = tpu.memref_slice %arg5[%add3A_276, %dma_start3A_345] : memref<204800x64xf32, #tpu.memory_space<hbm>> -> memref<128x64xf32, #tpu.memory_space<hbm>>
        %dma_start3A_347 = arith.constant 256 : i32
        %dma_start3A_348 = arith.constant 0 : i32
        %dma_start3A_349 = tpu.memref_slice %arg8[%dma_start3A_347, %dma_start3A_348] : memref<1280x64xf32, #tpu.memory_space<vmem>> -> memref<128x64xf32, #tpu.memory_space<vmem>>
        tpu.enqueue_dma source(%dma_start3A_349 : memref<128x64xf32, #tpu.memory_space<vmem>>) target(%dma_start3A_346 : memref<128x64xf32, #tpu.memory_space<hbm>>) target_semaphore(%run_scoped3A : memref<!tpu.dma_semaphore, #tpu.memory_space<semaphore_mem>>)
        %dma_wait3A_350 = arith.constant 256 : i32
        %dma_wait3A_351 = arith.constant 0 : i32
        %dma_wait3A_352 = tpu.memref_slice %arg8[%dma_wait3A_350, %dma_wait3A_351] : memref<1280x64xf32, #tpu.memory_space<vmem>> -> memref<128x64xf32, #tpu.memory_space<vmem>>
        %dma_wait3A_353 = arith.constant 0 : i32
        %dma_wait3A_354 = tpu.memref_slice %arg5[%add3A_276, %dma_wait3A_353] : memref<204800x64xf32, #tpu.memory_space<hbm>> -> memref<128x64xf32, #tpu.memory_space<hbm>>
        %dma_wait3A_355 = arith.constant 0 : i32
        %dma_wait3A_356 = tpu.memref_slice %arg5[%add3A_276, %dma_wait3A_355] : memref<204800x64xf32, #tpu.memory_space<hbm>> -> memref<128x64xf32, #tpu.memory_space<hbm>>
        %dma_wait3A_357 = arith.constant 256 : i32
        %dma_wait3A_358 = arith.constant 0 : i32
        %dma_wait3A_359 = tpu.memref_slice %arg8[%dma_wait3A_357, %dma_wait3A_358] : memref<1280x64xf32, #tpu.memory_space<vmem>> -> memref<128x64xf32, #tpu.memory_space<vmem>>
        tpu.wait_dma2 semaphore(%run_scoped3A : memref<!tpu.dma_semaphore, #tpu.memory_space<semaphore_mem>>) src(%dma_wait3A_359 : memref<128x64xf32, #tpu.memory_space<vmem>>) dst(%dma_wait3A_356 : memref<128x64xf32, #tpu.memory_space<hbm>>)
        tpu.yield
      }) : () -> ()
      %mul3A_277 = arith.constant 10 : i32
      %mul3A_278 = arith.muli %add3A_29, %mul3A_277 : i32
      %add3A_279 = arith.constant 3 : i32
      %add3A_280 = arith.addi %mul3A_278, %add3A_279 : i32
      %mul3A_281 = arith.constant 4096 : i32
      %mul3A_282 = arith.muli %add3A_280, %mul3A_281 : i32
      %mul3A_283 = arith.constant 128 : i32
      %mul3A_284 = arith.muli %add3A, %mul3A_283 : i32
      %add3A_285 = arith.addi %mul3A_282, %mul3A_284 : i32
      "tpu.region"() ({
        %run_scoped3A = tpu.sem_alloc : memref<!tpu.dma_semaphore, #tpu.memory_space<semaphore_mem>>
        %dma_start3A_340 = arith.constant 384 : i32
        %dma_start3A_341 = arith.constant 0 : i32
        %dma_start3A_342 = tpu.memref_slice %arg8[%dma_start3A_340, %dma_start3A_341] : memref<1280x64xf32, #tpu.memory_space<vmem>> -> memref<128x64xf32, #tpu.memory_space<vmem>>
        %dma_start3A_343 = arith.constant 0 : i32
        %dma_start3A_344 = tpu.memref_slice %arg5[%add3A_285, %dma_start3A_343] : memref<204800x64xf32, #tpu.memory_space<hbm>> -> memref<128x64xf32, #tpu.memory_space<hbm>>
        %dma_start3A_345 = arith.constant 0 : i32
        %dma_start3A_346 = tpu.memref_slice %arg5[%add3A_285, %dma_start3A_345] : memref<204800x64xf32, #tpu.memory_space<hbm>> -> memref<128x64xf32, #tpu.memory_space<hbm>>
        %dma_start3A_347 = arith.constant 384 : i32
        %dma_start3A_348 = arith.constant 0 : i32
        %dma_start3A_349 = tpu.memref_slice %arg8[%dma_start3A_347, %dma_start3A_348] : memref<1280x64xf32, #tpu.memory_space<vmem>> -> memref<128x64xf32, #tpu.memory_space<vmem>>
        tpu.enqueue_dma source(%dma_start3A_349 : memref<128x64xf32, #tpu.memory_space<vmem>>) target(%dma_start3A_346 : memref<128x64xf32, #tpu.memory_space<hbm>>) target_semaphore(%run_scoped3A : memref<!tpu.dma_semaphore, #tpu.memory_space<semaphore_mem>>)
        %dma_wait3A_350 = arith.constant 384 : i32
        %dma_wait3A_351 = arith.constant 0 : i32
        %dma_wait3A_352 = tpu.memref_slice %arg8[%dma_wait3A_350, %dma_wait3A_351] : memref<1280x64xf32, #tpu.memory_space<vmem>> -> memref<128x64xf32, #tpu.memory_space<vmem>>
        %dma_wait3A_353 = arith.constant 0 : i32
        %dma_wait3A_354 = tpu.memref_slice %arg5[%add3A_285, %dma_wait3A_353] : memref<204800x64xf32, #tpu.memory_space<hbm>> -> memref<128x64xf32, #tpu.memory_space<hbm>>
        %dma_wait3A_355 = arith.constant 0 : i32
        %dma_wait3A_356 = tpu.memref_slice %arg5[%add3A_285, %dma_wait3A_355] : memref<204800x64xf32, #tpu.memory_space<hbm>> -> memref<128x64xf32, #tpu.memory_space<hbm>>
        %dma_wait3A_357 = arith.constant 384 : i32
        %dma_wait3A_358 = arith.constant 0 : i32
        %dma_wait3A_359 = tpu.memref_slice %arg8[%dma_wait3A_357, %dma_wait3A_358] : memref<1280x64xf32, #tpu.memory_space<vmem>> -> memref<128x64xf32, #tpu.memory_space<vmem>>
        tpu.wait_dma2 semaphore(%run_scoped3A : memref<!tpu.dma_semaphore, #tpu.memory_space<semaphore_mem>>) src(%dma_wait3A_359 : memref<128x64xf32, #tpu.memory_space<vmem>>) dst(%dma_wait3A_356 : memref<128x64xf32, #tpu.memory_space<hbm>>)
        tpu.yield
      }) : () -> ()
      %mul3A_286 = arith.constant 10 : i32
      %mul3A_287 = arith.muli %add3A_29, %mul3A_286 : i32
      %add3A_288 = arith.constant 4 : i32
      %add3A_289 = arith.addi %mul3A_287, %add3A_288 : i32
      %mul3A_290 = arith.constant 4096 : i32
      %mul3A_291 = arith.muli %add3A_289, %mul3A_290 : i32
      %mul3A_292 = arith.constant 128 : i32
      %mul3A_293 = arith.muli %add3A, %mul3A_292 : i32
      %add3A_294 = arith.addi %mul3A_291, %mul3A_293 : i32
      "tpu.region"() ({
        %run_scoped3A = tpu.sem_alloc : memref<!tpu.dma_semaphore, #tpu.memory_space<semaphore_mem>>
        %dma_start3A_340 = arith.constant 512 : i32
        %dma_start3A_341 = arith.constant 0 : i32
        %dma_start3A_342 = tpu.memref_slice %arg8[%dma_start3A_340, %dma_start3A_341] : memref<1280x64xf32, #tpu.memory_space<vmem>> -> memref<128x64xf32, #tpu.memory_space<vmem>>
        %dma_start3A_343 = arith.constant 0 : i32
        %dma_start3A_344 = tpu.memref_slice %arg5[%add3A_294, %dma_start3A_343] : memref<204800x64xf32, #tpu.memory_space<hbm>> -> memref<128x64xf32, #tpu.memory_space<hbm>>
        %dma_start3A_345 = arith.constant 0 : i32
        %dma_start3A_346 = tpu.memref_slice %arg5[%add3A_294, %dma_start3A_345] : memref<204800x64xf32, #tpu.memory_space<hbm>> -> memref<128x64xf32, #tpu.memory_space<hbm>>
        %dma_start3A_347 = arith.constant 512 : i32
        %dma_start3A_348 = arith.constant 0 : i32
        %dma_start3A_349 = tpu.memref_slice %arg8[%dma_start3A_347, %dma_start3A_348] : memref<1280x64xf32, #tpu.memory_space<vmem>> -> memref<128x64xf32, #tpu.memory_space<vmem>>
        tpu.enqueue_dma source(%dma_start3A_349 : memref<128x64xf32, #tpu.memory_space<vmem>>) target(%dma_start3A_346 : memref<128x64xf32, #tpu.memory_space<hbm>>) target_semaphore(%run_scoped3A : memref<!tpu.dma_semaphore, #tpu.memory_space<semaphore_mem>>)
        %dma_wait3A_350 = arith.constant 512 : i32
        %dma_wait3A_351 = arith.constant 0 : i32
        %dma_wait3A_352 = tpu.memref_slice %arg8[%dma_wait3A_350, %dma_wait3A_351] : memref<1280x64xf32, #tpu.memory_space<vmem>> -> memref<128x64xf32, #tpu.memory_space<vmem>>
        %dma_wait3A_353 = arith.constant 0 : i32
        %dma_wait3A_354 = tpu.memref_slice %arg5[%add3A_294, %dma_wait3A_353] : memref<204800x64xf32, #tpu.memory_space<hbm>> -> memref<128x64xf32, #tpu.memory_space<hbm>>
        %dma_wait3A_355 = arith.constant 0 : i32
        %dma_wait3A_356 = tpu.memref_slice %arg5[%add3A_294, %dma_wait3A_355] : memref<204800x64xf32, #tpu.memory_space<hbm>> -> memref<128x64xf32, #tpu.memory_space<hbm>>
        %dma_wait3A_357 = arith.constant 512 : i32
        %dma_wait3A_358 = arith.constant 0 : i32
        %dma_wait3A_359 = tpu.memref_slice %arg8[%dma_wait3A_357, %dma_wait3A_358] : memref<1280x64xf32, #tpu.memory_space<vmem>> -> memref<128x64xf32, #tpu.memory_space<vmem>>
        tpu.wait_dma2 semaphore(%run_scoped3A : memref<!tpu.dma_semaphore, #tpu.memory_space<semaphore_mem>>) src(%dma_wait3A_359 : memref<128x64xf32, #tpu.memory_space<vmem>>) dst(%dma_wait3A_356 : memref<128x64xf32, #tpu.memory_space<hbm>>)
        tpu.yield
      }) : () -> ()
      %mul3A_295 = arith.constant 10 : i32
      %mul3A_296 = arith.muli %add3A_29, %mul3A_295 : i32
      %add3A_297 = arith.constant 5 : i32
      %add3A_298 = arith.addi %mul3A_296, %add3A_297 : i32
      %mul3A_299 = arith.constant 4096 : i32
      %mul3A_300 = arith.muli %add3A_298, %mul3A_299 : i32
      %mul3A_301 = arith.constant 128 : i32
      %mul3A_302 = arith.muli %add3A, %mul3A_301 : i32
      %add3A_303 = arith.addi %mul3A_300, %mul3A_302 : i32
      "tpu.region"() ({
        %run_scoped3A = tpu.sem_alloc : memref<!tpu.dma_semaphore, #tpu.memory_space<semaphore_mem>>
        %dma_start3A_340 = arith.constant 640 : i32
        %dma_start3A_341 = arith.constant 0 : i32
        %dma_start3A_342 = tpu.memref_slice %arg8[%dma_start3A_340, %dma_start3A_341] : memref<1280x64xf32, #tpu.memory_space<vmem>> -> memref<128x64xf32, #tpu.memory_space<vmem>>
        %dma_start3A_343 = arith.constant 0 : i32
        %dma_start3A_344 = tpu.memref_slice %arg5[%add3A_303, %dma_start3A_343] : memref<204800x64xf32, #tpu.memory_space<hbm>> -> memref<128x64xf32, #tpu.memory_space<hbm>>
        %dma_start3A_345 = arith.constant 0 : i32
        %dma_start3A_346 = tpu.memref_slice %arg5[%add3A_303, %dma_start3A_345] : memref<204800x64xf32, #tpu.memory_space<hbm>> -> memref<128x64xf32, #tpu.memory_space<hbm>>
        %dma_start3A_347 = arith.constant 640 : i32
        %dma_start3A_348 = arith.constant 0 : i32
        %dma_start3A_349 = tpu.memref_slice %arg8[%dma_start3A_347, %dma_start3A_348] : memref<1280x64xf32, #tpu.memory_space<vmem>> -> memref<128x64xf32, #tpu.memory_space<vmem>>
        tpu.enqueue_dma source(%dma_start3A_349 : memref<128x64xf32, #tpu.memory_space<vmem>>) target(%dma_start3A_346 : memref<128x64xf32, #tpu.memory_space<hbm>>) target_semaphore(%run_scoped3A : memref<!tpu.dma_semaphore, #tpu.memory_space<semaphore_mem>>)
        %dma_wait3A_350 = arith.constant 640 : i32
        %dma_wait3A_351 = arith.constant 0 : i32
        %dma_wait3A_352 = tpu.memref_slice %arg8[%dma_wait3A_350, %dma_wait3A_351] : memref<1280x64xf32, #tpu.memory_space<vmem>> -> memref<128x64xf32, #tpu.memory_space<vmem>>
        %dma_wait3A_353 = arith.constant 0 : i32
        %dma_wait3A_354 = tpu.memref_slice %arg5[%add3A_303, %dma_wait3A_353] : memref<204800x64xf32, #tpu.memory_space<hbm>> -> memref<128x64xf32, #tpu.memory_space<hbm>>
        %dma_wait3A_355 = arith.constant 0 : i32
        %dma_wait3A_356 = tpu.memref_slice %arg5[%add3A_303, %dma_wait3A_355] : memref<204800x64xf32, #tpu.memory_space<hbm>> -> memref<128x64xf32, #tpu.memory_space<hbm>>
        %dma_wait3A_357 = arith.constant 640 : i32
        %dma_wait3A_358 = arith.constant 0 : i32
        %dma_wait3A_359 = tpu.memref_slice %arg8[%dma_wait3A_357, %dma_wait3A_358] : memref<1280x64xf32, #tpu.memory_space<vmem>> -> memref<128x64xf32, #tpu.memory_space<vmem>>
        tpu.wait_dma2 semaphore(%run_scoped3A : memref<!tpu.dma_semaphore, #tpu.memory_space<semaphore_mem>>) src(%dma_wait3A_359 : memref<128x64xf32, #tpu.memory_space<vmem>>) dst(%dma_wait3A_356 : memref<128x64xf32, #tpu.memory_space<hbm>>)
        tpu.yield
      }) : () -> ()
      %mul3A_304 = arith.constant 10 : i32
      %mul3A_305 = arith.muli %add3A_29, %mul3A_304 : i32
      %add3A_306 = arith.constant 6 : i32
      %add3A_307 = arith.addi %mul3A_305, %add3A_306 : i32
      %mul3A_308 = arith.constant 4096 : i32
      %mul3A_309 = arith.muli %add3A_307, %mul3A_308 : i32
      %mul3A_310 = arith.constant 128 : i32
      %mul3A_311 = arith.muli %add3A, %mul3A_310 : i32
      %add3A_312 = arith.addi %mul3A_309, %mul3A_311 : i32
      "tpu.region"() ({
        %run_scoped3A = tpu.sem_alloc : memref<!tpu.dma_semaphore, #tpu.memory_space<semaphore_mem>>
        %dma_start3A_340 = arith.constant 768 : i32
        %dma_start3A_341 = arith.constant 0 : i32
        %dma_start3A_342 = tpu.memref_slice %arg8[%dma_start3A_340, %dma_start3A_341] : memref<1280x64xf32, #tpu.memory_space<vmem>> -> memref<128x64xf32, #tpu.memory_space<vmem>>
        %dma_start3A_343 = arith.constant 0 : i32
        %dma_start3A_344 = tpu.memref_slice %arg5[%add3A_312, %dma_start3A_343] : memref<204800x64xf32, #tpu.memory_space<hbm>> -> memref<128x64xf32, #tpu.memory_space<hbm>>
        %dma_start3A_345 = arith.constant 0 : i32
        %dma_start3A_346 = tpu.memref_slice %arg5[%add3A_312, %dma_start3A_345] : memref<204800x64xf32, #tpu.memory_space<hbm>> -> memref<128x64xf32, #tpu.memory_space<hbm>>
        %dma_start3A_347 = arith.constant 768 : i32
        %dma_start3A_348 = arith.constant 0 : i32
        %dma_start3A_349 = tpu.memref_slice %arg8[%dma_start3A_347, %dma_start3A_348] : memref<1280x64xf32, #tpu.memory_space<vmem>> -> memref<128x64xf32, #tpu.memory_space<vmem>>
        tpu.enqueue_dma source(%dma_start3A_349 : memref<128x64xf32, #tpu.memory_space<vmem>>) target(%dma_start3A_346 : memref<128x64xf32, #tpu.memory_space<hbm>>) target_semaphore(%run_scoped3A : memref<!tpu.dma_semaphore, #tpu.memory_space<semaphore_mem>>)
        %dma_wait3A_350 = arith.constant 768 : i32
        %dma_wait3A_351 = arith.constant 0 : i32
        %dma_wait3A_352 = tpu.memref_slice %arg8[%dma_wait3A_350, %dma_wait3A_351] : memref<1280x64xf32, #tpu.memory_space<vmem>> -> memref<128x64xf32, #tpu.memory_space<vmem>>
        %dma_wait3A_353 = arith.constant 0 : i32
        %dma_wait3A_354 = tpu.memref_slice %arg5[%add3A_312, %dma_wait3A_353] : memref<204800x64xf32, #tpu.memory_space<hbm>> -> memref<128x64xf32, #tpu.memory_space<hbm>>
        %dma_wait3A_355 = arith.constant 0 : i32
        %dma_wait3A_356 = tpu.memref_slice %arg5[%add3A_312, %dma_wait3A_355] : memref<204800x64xf32, #tpu.memory_space<hbm>> -> memref<128x64xf32, #tpu.memory_space<hbm>>
        %dma_wait3A_357 = arith.constant 768 : i32
        %dma_wait3A_358 = arith.constant 0 : i32
        %dma_wait3A_359 = tpu.memref_slice %arg8[%dma_wait3A_357, %dma_wait3A_358] : memref<1280x64xf32, #tpu.memory_space<vmem>> -> memref<128x64xf32, #tpu.memory_space<vmem>>
        tpu.wait_dma2 semaphore(%run_scoped3A : memref<!tpu.dma_semaphore, #tpu.memory_space<semaphore_mem>>) src(%dma_wait3A_359 : memref<128x64xf32, #tpu.memory_space<vmem>>) dst(%dma_wait3A_356 : memref<128x64xf32, #tpu.memory_space<hbm>>)
        tpu.yield
      }) : () -> ()
      %mul3A_313 = arith.constant 10 : i32
      %mul3A_314 = arith.muli %add3A_29, %mul3A_313 : i32
      %add3A_315 = arith.constant 7 : i32
      %add3A_316 = arith.addi %mul3A_314, %add3A_315 : i32
      %mul3A_317 = arith.constant 4096 : i32
      %mul3A_318 = arith.muli %add3A_316, %mul3A_317 : i32
      %mul3A_319 = arith.constant 128 : i32
      %mul3A_320 = arith.muli %add3A, %mul3A_319 : i32
      %add3A_321 = arith.addi %mul3A_318, %mul3A_320 : i32
      "tpu.region"() ({
        %run_scoped3A = tpu.sem_alloc : memref<!tpu.dma_semaphore, #tpu.memory_space<semaphore_mem>>
        %dma_start3A_340 = arith.constant 896 : i32
        %dma_start3A_341 = arith.constant 0 : i32
        %dma_start3A_342 = tpu.memref_slice %arg8[%dma_start3A_340, %dma_start3A_341] : memref<1280x64xf32, #tpu.memory_space<vmem>> -> memref<128x64xf32, #tpu.memory_space<vmem>>
        %dma_start3A_343 = arith.constant 0 : i32
        %dma_start3A_344 = tpu.memref_slice %arg5[%add3A_321, %dma_start3A_343] : memref<204800x64xf32, #tpu.memory_space<hbm>> -> memref<128x64xf32, #tpu.memory_space<hbm>>
        %dma_start3A_345 = arith.constant 0 : i32
        %dma_start3A_346 = tpu.memref_slice %arg5[%add3A_321, %dma_start3A_345] : memref<204800x64xf32, #tpu.memory_space<hbm>> -> memref<128x64xf32, #tpu.memory_space<hbm>>
        %dma_start3A_347 = arith.constant 896 : i32
        %dma_start3A_348 = arith.constant 0 : i32
        %dma_start3A_349 = tpu.memref_slice %arg8[%dma_start3A_347, %dma_start3A_348] : memref<1280x64xf32, #tpu.memory_space<vmem>> -> memref<128x64xf32, #tpu.memory_space<vmem>>
        tpu.enqueue_dma source(%dma_start3A_349 : memref<128x64xf32, #tpu.memory_space<vmem>>) target(%dma_start3A_346 : memref<128x64xf32, #tpu.memory_space<hbm>>) target_semaphore(%run_scoped3A : memref<!tpu.dma_semaphore, #tpu.memory_space<semaphore_mem>>)
        %dma_wait3A_350 = arith.constant 896 : i32
        %dma_wait3A_351 = arith.constant 0 : i32
        %dma_wait3A_352 = tpu.memref_slice %arg8[%dma_wait3A_350, %dma_wait3A_351] : memref<1280x64xf32, #tpu.memory_space<vmem>> -> memref<128x64xf32, #tpu.memory_space<vmem>>
        %dma_wait3A_353 = arith.constant 0 : i32
        %dma_wait3A_354 = tpu.memref_slice %arg5[%add3A_321, %dma_wait3A_353] : memref<204800x64xf32, #tpu.memory_space<hbm>> -> memref<128x64xf32, #tpu.memory_space<hbm>>
        %dma_wait3A_355 = arith.constant 0 : i32
        %dma_wait3A_356 = tpu.memref_slice %arg5[%add3A_321, %dma_wait3A_355] : memref<204800x64xf32, #tpu.memory_space<hbm>> -> memref<128x64xf32, #tpu.memory_space<hbm>>
        %dma_wait3A_357 = arith.constant 896 : i32
        %dma_wait3A_358 = arith.constant 0 : i32
        %dma_wait3A_359 = tpu.memref_slice %arg8[%dma_wait3A_357, %dma_wait3A_358] : memref<1280x64xf32, #tpu.memory_space<vmem>> -> memref<128x64xf32, #tpu.memory_space<vmem>>
        tpu.wait_dma2 semaphore(%run_scoped3A : memref<!tpu.dma_semaphore, #tpu.memory_space<semaphore_mem>>) src(%dma_wait3A_359 : memref<128x64xf32, #tpu.memory_space<vmem>>) dst(%dma_wait3A_356 : memref<128x64xf32, #tpu.memory_space<hbm>>)
        tpu.yield
      }) : () -> ()
      %mul3A_322 = arith.constant 10 : i32
      %mul3A_323 = arith.muli %add3A_29, %mul3A_322 : i32
      %add3A_324 = arith.constant 8 : i32
      %add3A_325 = arith.addi %mul3A_323, %add3A_324 : i32
      %mul3A_326 = arith.constant 4096 : i32
      %mul3A_327 = arith.muli %add3A_325, %mul3A_326 : i32
      %mul3A_328 = arith.constant 128 : i32
      %mul3A_329 = arith.muli %add3A, %mul3A_328 : i32
      %add3A_330 = arith.addi %mul3A_327, %mul3A_329 : i32
      "tpu.region"() ({
        %run_scoped3A = tpu.sem_alloc : memref<!tpu.dma_semaphore, #tpu.memory_space<semaphore_mem>>
        %dma_start3A_340 = arith.constant 1024 : i32
        %dma_start3A_341 = arith.constant 0 : i32
        %dma_start3A_342 = tpu.memref_slice %arg8[%dma_start3A_340, %dma_start3A_341] : memref<1280x64xf32, #tpu.memory_space<vmem>> -> memref<128x64xf32, #tpu.memory_space<vmem>>
        %dma_start3A_343 = arith.constant 0 : i32
        %dma_start3A_344 = tpu.memref_slice %arg5[%add3A_330, %dma_start3A_343] : memref<204800x64xf32, #tpu.memory_space<hbm>> -> memref<128x64xf32, #tpu.memory_space<hbm>>
        %dma_start3A_345 = arith.constant 0 : i32
        %dma_start3A_346 = tpu.memref_slice %arg5[%add3A_330, %dma_start3A_345] : memref<204800x64xf32, #tpu.memory_space<hbm>> -> memref<128x64xf32, #tpu.memory_space<hbm>>
        %dma_start3A_347 = arith.constant 1024 : i32
        %dma_start3A_348 = arith.constant 0 : i32
        %dma_start3A_349 = tpu.memref_slice %arg8[%dma_start3A_347, %dma_start3A_348] : memref<1280x64xf32, #tpu.memory_space<vmem>> -> memref<128x64xf32, #tpu.memory_space<vmem>>
        tpu.enqueue_dma source(%dma_start3A_349 : memref<128x64xf32, #tpu.memory_space<vmem>>) target(%dma_start3A_346 : memref<128x64xf32, #tpu.memory_space<hbm>>) target_semaphore(%run_scoped3A : memref<!tpu.dma_semaphore, #tpu.memory_space<semaphore_mem>>)
        %dma_wait3A_350 = arith.constant 1024 : i32
        %dma_wait3A_351 = arith.constant 0 : i32
        %dma_wait3A_352 = tpu.memref_slice %arg8[%dma_wait3A_350, %dma_wait3A_351] : memref<1280x64xf32, #tpu.memory_space<vmem>> -> memref<128x64xf32, #tpu.memory_space<vmem>>
        %dma_wait3A_353 = arith.constant 0 : i32
        %dma_wait3A_354 = tpu.memref_slice %arg5[%add3A_330, %dma_wait3A_353] : memref<204800x64xf32, #tpu.memory_space<hbm>> -> memref<128x64xf32, #tpu.memory_space<hbm>>
        %dma_wait3A_355 = arith.constant 0 : i32
        %dma_wait3A_356 = tpu.memref_slice %arg5[%add3A_330, %dma_wait3A_355] : memref<204800x64xf32, #tpu.memory_space<hbm>> -> memref<128x64xf32, #tpu.memory_space<hbm>>
        %dma_wait3A_357 = arith.constant 1024 : i32
        %dma_wait3A_358 = arith.constant 0 : i32
        %dma_wait3A_359 = tpu.memref_slice %arg8[%dma_wait3A_357, %dma_wait3A_358] : memref<1280x64xf32, #tpu.memory_space<vmem>> -> memref<128x64xf32, #tpu.memory_space<vmem>>
        tpu.wait_dma2 semaphore(%run_scoped3A : memref<!tpu.dma_semaphore, #tpu.memory_space<semaphore_mem>>) src(%dma_wait3A_359 : memref<128x64xf32, #tpu.memory_space<vmem>>) dst(%dma_wait3A_356 : memref<128x64xf32, #tpu.memory_space<hbm>>)
        tpu.yield
      }) : () -> ()
      %mul3A_331 = arith.constant 10 : i32
      %mul3A_332 = arith.muli %add3A_29, %mul3A_331 : i32
      %add3A_333 = arith.constant 9 : i32
      %add3A_334 = arith.addi %mul3A_332, %add3A_333 : i32
      %mul3A_335 = arith.constant 4096 : i32
      %mul3A_336 = arith.muli %add3A_334, %mul3A_335 : i32
      %mul3A_337 = arith.constant 128 : i32
      %mul3A_338 = arith.muli %add3A, %mul3A_337 : i32
      %add3A_339 = arith.addi %mul3A_336, %mul3A_338 : i32
      "tpu.region"() ({
        %run_scoped3A = tpu.sem_alloc : memref<!tpu.dma_semaphore, #tpu.memory_space<semaphore_mem>>
        %dma_start3A_340 = arith.constant 1152 : i32
        %dma_start3A_341 = arith.constant 0 : i32
        %dma_start3A_342 = tpu.memref_slice %arg8[%dma_start3A_340, %dma_start3A_341] : memref<1280x64xf32, #tpu.memory_space<vmem>> -> memref<128x64xf32, #tpu.memory_space<vmem>>
        %dma_start3A_343 = arith.constant 0 : i32
        %dma_start3A_344 = tpu.memref_slice %arg5[%add3A_339, %dma_start3A_343] : memref<204800x64xf32, #tpu.memory_space<hbm>> -> memref<128x64xf32, #tpu.memory_space<hbm>>
        %dma_start3A_345 = arith.constant 0 : i32
        %dma_start3A_346 = tpu.memref_slice %arg5[%add3A_339, %dma_start3A_345] : memref<204800x64xf32, #tpu.memory_space<hbm>> -> memref<128x64xf32, #tpu.memory_space<hbm>>
        %dma_start3A_347 = arith.constant 1152 : i32
        %dma_start3A_348 = arith.constant 0 : i32
        %dma_start3A_349 = tpu.memref_slice %arg8[%dma_start3A_347, %dma_start3A_348] : memref<1280x64xf32, #tpu.memory_space<vmem>> -> memref<128x64xf32, #tpu.memory_space<vmem>>
        tpu.enqueue_dma source(%dma_start3A_349 : memref<128x64xf32, #tpu.memory_space<vmem>>) target(%dma_start3A_346 : memref<128x64xf32, #tpu.memory_space<hbm>>) target_semaphore(%run_scoped3A : memref<!tpu.dma_semaphore, #tpu.memory_space<semaphore_mem>>)
        %dma_wait3A_350 = arith.constant 1152 : i32
        %dma_wait3A_351 = arith.constant 0 : i32
        %dma_wait3A_352 = tpu.memref_slice %arg8[%dma_wait3A_350, %dma_wait3A_351] : memref<1280x64xf32, #tpu.memory_space<vmem>> -> memref<128x64xf32, #tpu.memory_space<vmem>>
        %dma_wait3A_353 = arith.constant 0 : i32
        %dma_wait3A_354 = tpu.memref_slice %arg5[%add3A_339, %dma_wait3A_353] : memref<204800x64xf32, #tpu.memory_space<hbm>> -> memref<128x64xf32, #tpu.memory_space<hbm>>
        %dma_wait3A_355 = arith.constant 0 : i32
        %dma_wait3A_356 = tpu.memref_slice %arg5[%add3A_339, %dma_wait3A_355] : memref<204800x64xf32, #tpu.memory_space<hbm>> -> memref<128x64xf32, #tpu.memory_space<hbm>>
        %dma_wait3A_357 = arith.constant 1152 : i32
        %dma_wait3A_358 = arith.constant 0 : i32
        %dma_wait3A_359 = tpu.memref_slice %arg8[%dma_wait3A_357, %dma_wait3A_358] : memref<1280x64xf32, #tpu.memory_space<vmem>> -> memref<128x64xf32, #tpu.memory_space<vmem>>
        tpu.wait_dma2 semaphore(%run_scoped3A : memref<!tpu.dma_semaphore, #tpu.memory_space<semaphore_mem>>) src(%dma_wait3A_359 : memref<128x64xf32, #tpu.memory_space<vmem>>) dst(%dma_wait3A_356 : memref<128x64xf32, #tpu.memory_space<hbm>>)
        tpu.yield
      }) : () -> ()
    }
    %scan3A_24 = arith.constant 5 : i32
    return
  }
}

module attributes {stable_mosaic.version = 14 : i64} {
  func.func @body(%arg0: i32, %arg1: memref<64x8192xf32, #tpu.memory_space<vmem>>, %arg2: memref<64x8192xf32, #tpu.memory_space<vmem>>, %arg3: memref<8192x64xf32, #tpu.memory_space<vmem>>, %arg4: memref<8192x128xf32, #tpu.memory_space<vmem>>) attributes {dimension_semantics = [#tpu.dimension_semantics<arbitrary>], iteration_bounds = array<i64: 62>, scalar_prefetch = 0 : i64, scratch_operands = 0 : i64, tpu.core_type = #tpu.core_type<tc>, window_params = [{transform_indices = @transform_0, window_bounds = array<i64: 64, 8192>}, {transform_indices = @transform_1, window_bounds = array<i64: 64, 8192>}, {pipeline_mode = #tpu.pipeline_mode<synchronous>, transform_indices = @transform_2, window_bounds = array<i64: 8192, 64>}, {transform_indices = @transform_3, window_bounds = array<i64: 8192, 128>}]} {
    %lt3A = arith.constant 61 : i32
    %lt3A_0 = arith.cmpi slt, %arg0, %lt3A : i32
    %convert_element_type3A = arith.extui %lt3A_0 : i1 to i32
    %cond3A = arith.constant 0 : i32
    %cond3A_1 = arith.cmpi ne, %convert_element_type3A, %cond3A : i32
    scf.if %cond3A_1 {
      %get3A = arith.constant 0 : index
      %get3A_6 = arith.constant 0 : index
      %get3A_7 = vector.load %arg1[%get3A, %get3A_6] : memref<64x8192xf32, #tpu.memory_space<vmem>>, vector<64x8192xf32>
      %transpose3A = tpu.transpose %get3A_7, [1, 0] : vector<64x8192xf32> -> vector<8192x64xf32>
      %get3A_8 = arith.constant 0 : index
      %get3A_9 = arith.constant 0 : index
      %get3A_10 = vector.load %arg2[%get3A_8, %get3A_9] : memref<64x8192xf32, #tpu.memory_space<vmem>>, vector<64x8192xf32>
      %transpose3A_11 = tpu.transpose %get3A_10, [1, 0] : vector<64x8192xf32> -> vector<8192x64xf32>
      %concatenate3A = tpu.concatenate %transpose3A, %transpose3A_11 in 1 : vector<8192x64xf32>, vector<8192x64xf32> -> vector<8192x128xf32>
      %swap3A = arith.constant 0 : index
      %swap3A_12 = arith.constant 0 : index
      %swap3A_13 = vector.load %arg4[%swap3A, %swap3A_12] : memref<8192x128xf32, #tpu.memory_space<vmem>>, vector<8192x128xf32>
      tpu.vector_store %arg4[%swap3A, %swap3A_12], %concatenate3A {strides = array<i32>} : memref<8192x128xf32, #tpu.memory_space<vmem>>, vector<8192x128xf32>,
    } else {
    }
    %eq3A = arith.constant 61 : i32
    %eq3A_2 = arith.cmpi eq, %arg0, %eq3A : i32
    %convert_element_type3A_3 = arith.extui %eq3A_2 : i1 to i32
    %cond3A_4 = arith.constant 0 : i32
    %cond3A_5 = arith.cmpi ne, %convert_element_type3A_3, %cond3A_4 : i32
    scf.if %cond3A_5 {
      %get3A = arith.constant 0 : index
      %get3A_6 = arith.constant 0 : index
      %get3A_7 = vector.load %arg3[%get3A, %get3A_6] : memref<8192x64xf32, #tpu.memory_space<vmem>>, vector<8192x64xf32>
      %broadcast_in_dim3A = arith.constant 0.000000e+00 : f32
      %broadcast_in_dim3A_8 = vector.broadcast %broadcast_in_dim3A : f32 to vector<8192x64xf32>
      %concatenate3A = tpu.concatenate %get3A_7, %broadcast_in_dim3A_8 in 1 : vector<8192x64xf32>, vector<8192x64xf32> -> vector<8192x128xf32>
      %swap3A = arith.constant 0 : index
      %swap3A_9 = arith.constant 0 : index
      %swap3A_10 = vector.load %arg4[%swap3A, %swap3A_9] : memref<8192x128xf32, #tpu.memory_space<vmem>>, vector<8192x128xf32>
      tpu.vector_store %arg4[%swap3A, %swap3A_9], %concatenate3A {strides = array<i32>} : memref<8192x128xf32, #tpu.memory_space<vmem>>, vector<8192x128xf32>,
    } else {
    }
    return
  }
  func.func @transform_0(%arg0: i32) -> (i32, i32) {
    %min3A = arith.constant 60 : i32
    %min3A_0 = arith.minsi %arg0, %min3A : i32
    %c0_i32 = arith.constant 0 : i32
    %c0_i32_1 = arith.constant 0 : i32
    return %c0_i32, %min3A_0 : i32, i32
  }
  func.func @transform_1(%arg0: i32) -> (i32, i32) {
    %add3A = arith.constant 61 : i32
    %add3A_0 = arith.addi %arg0, %add3A : i32
    %min3A = arith.constant 121 : i32
    %min3A_1 = arith.minsi %add3A_0, %min3A : i32
    %c0_i32 = arith.constant 0 : i32
    %c0_i32_2 = arith.constant 0 : i32
    return %c0_i32, %min3A_1 : i32, i32
  }
  func.func @transform_2(%arg0: i32) -> (i32, i32) {
    %c0_i32 = arith.constant 0 : i32
    %c0_i32_0 = arith.constant 0 : i32
    %c0_i32_1 = arith.constant 0 : i32
    return %c0_i32, %c0_i32_0 : i32, i32
  }
  func.func @transform_3(%arg0: i32) -> (i32, i32) {
    %c0_i32 = arith.constant 0 : i32
    %c0_i32_0 = arith.constant 0 : i32
    return %arg0, %c0_i32 : i32, i32
  }
}

module attributes {stable_mosaic.version = 14 : i64} {
  func.func @body(%arg0: memref<4096x50xi32, #tpu.memory_space<vmem>>, %arg1: memref<50x4096xi32, #tpu.memory_space<vmem>>) attributes {dimension_semantics = [], scalar_prefetch = 0 : i64, scratch_operands = 0 : i64, tpu.core_type = #tpu.core_type<tc>} {
    %get3A = arith.constant 0 : index
    %get3A_0 = arith.constant 0 : index
    %get3A_1 = vector.load %arg0[%get3A, %get3A_0] : memref<4096x50xi32, #tpu.memory_space<vmem>>, vector<4096x50xi32>
    %ge3A = arith.constant 999424 : i32
    %ge3A_2 = vector.broadcast %ge3A : i32 to vector<4096x50xi32>
    %ge3A_3 = arith.cmpi sge, %get3A_1, %ge3A_2 : vector<4096x50xi32>
    %add3A = arith.constant 499712 : i32
    %add3A_4 = vector.broadcast %add3A : i32 to vector<4096x50xi32>
    %add3A_5 = arith.addi %add3A_4, %get3A_1 : vector<4096x50xi32>
    %sub3A = arith.constant 999424 : i32
    %sub3A_6 = vector.broadcast %sub3A : i32 to vector<4096x50xi32>
    %sub3A_7 = arith.subi %add3A_5, %sub3A_6 : vector<4096x50xi32>
    %mul3A = arith.constant 2 : i32
    %mul3A_8 = vector.broadcast %mul3A : i32 to vector<4096x50xi32>
    %mul3A_9 = arith.muli %mul3A_8, %sub3A_7 : vector<4096x50xi32>
    %ge3A_10 = arith.constant 499712 : i32
    %ge3A_11 = vector.broadcast %ge3A_10 : i32 to vector<4096x50xi32>
    %ge3A_12 = arith.cmpi sge, %get3A_1, %ge3A_11 : vector<4096x50xi32>
    %sub3A_13 = arith.constant 499712 : i32
    %sub3A_14 = vector.broadcast %sub3A_13 : i32 to vector<4096x50xi32>
    %sub3A_15 = arith.subi %get3A_1, %sub3A_14 : vector<4096x50xi32>
    %mul3A_16 = arith.constant 2 : i32
    %mul3A_17 = vector.broadcast %mul3A_16 : i32 to vector<4096x50xi32>
    %mul3A_18 = arith.muli %mul3A_17, %sub3A_15 : vector<4096x50xi32>
    %add3A_19 = arith.constant 1 : i32
    %add3A_20 = vector.broadcast %add3A_19 : i32 to vector<4096x50xi32>
    %add3A_21 = arith.addi %mul3A_18, %add3A_20 : vector<4096x50xi32>
    %mul3A_22 = arith.constant 2 : i32
    %mul3A_23 = vector.broadcast %mul3A_22 : i32 to vector<4096x50xi32>
    %mul3A_24 = arith.muli %mul3A_23, %get3A_1 : vector<4096x50xi32>
    %select_n3A = arith.select %ge3A_12, %add3A_21, %mul3A_24 : vector<4096x50xi1>, vector<4096x50xi32>
    %select_n3A_25 = arith.select %ge3A_3, %mul3A_9, %select_n3A : vector<4096x50xi1>, vector<4096x50xi32>
    %transpose3A = tpu.transpose %select_n3A_25, [1, 0] : vector<4096x50xi32> -> vector<50x4096xi32>
    %swap3A = arith.constant 0 : index
    %swap3A_26 = arith.constant 0 : index
    %swap3A_27 = vector.load %arg1[%swap3A, %swap3A_26] : memref<50x4096xi32, #tpu.memory_space<vmem>>, vector<50x4096xi32>
    tpu.vector_store %arg1[%swap3A, %swap3A_26], %transpose3A {strides = array<i32>} : memref<50x4096xi32, #tpu.memory_space<vmem>>, vector<50x4096xi32>,
    return
  }
}

module attributes {stable_mosaic.version = 14 : i64} {
  func.func @body(%arg0: i32, %arg1: memref<2x2048x128xf32, #tpu.memory_space<vmem>>, %arg2: memref<4096x64xf32, #tpu.memory_space<vmem>>, %arg3: memref<4096x64xf32, #tpu.memory_space<vmem>>, %arg4: memref<64x64xf32, #tpu.memory_space<vmem>>, %arg5: memref<64x64xf32, #tpu.memory_space<vmem>>, %arg6: memref<64x64xf32, #tpu.memory_space<vmem>>, %arg7: memref<1x64xf32, #tpu.memory_space<vmem>>, %arg8: memref<1x64xf32, #tpu.memory_space<vmem>>, %arg9: memref<1x1xf32, #tpu.memory_space<vmem>>, %arg10: memref<4096x64xf32, #tpu.memory_space<vmem>>, %arg11: memref<4096x1xf32, #tpu.memory_space<vmem>>, %arg12: memref<4096x64xf32, #tpu.memory_space<vmem>>) attributes {dimension_semantics = [#tpu.dimension_semantics<arbitrary>], iteration_bounds = array<i64: 25>, scalar_prefetch = 0 : i64, scratch_operands = 1 : i64, tpu.core_type = #tpu.core_type<tc>, window_params = [{transform_indices = @transform_0, window_bounds = array<i64: 2, 2048, 128>}, {pipeline_mode = #tpu.pipeline_mode<synchronous>, transform_indices = @transform_1, window_bounds = array<i64: 4096, 64>}, {pipeline_mode = #tpu.pipeline_mode<synchronous>, transform_indices = @transform_2, window_bounds = array<i64: 4096, 64>}, {pipeline_mode = #tpu.pipeline_mode<synchronous>, transform_indices = @transform_3, window_bounds = array<i64: 64, 64>}, {pipeline_mode = #tpu.pipeline_mode<synchronous>, transform_indices = @transform_4, window_bounds = array<i64: 64, 64>}, {pipeline_mode = #tpu.pipeline_mode<synchronous>, transform_indices = @transform_5, window_bounds = array<i64: 64, 64>}, {pipeline_mode = #tpu.pipeline_mode<synchronous>, transform_indices = @transform_6, window_bounds = array<i64: 1, 64>}, {pipeline_mode = #tpu.pipeline_mode<synchronous>, transform_indices = @transform_7, window_bounds = array<i64: 1, 64>}, {pipeline_mode = #tpu.pipeline_mode<synchronous>, transform_indices = @transform_8, window_bounds = array<i64: 1, 1>}, {pipeline_mode = #tpu.pipeline_mode<synchronous>, transform_indices = @transform_9, window_bounds = array<i64: 4096, 64>}, {pipeline_mode = #tpu.pipeline_mode<synchronous>, transform_indices = @transform_10, window_bounds = array<i64: 4096, 1>}]} {
    %eq3A = arith.constant 0 : i32
    %eq3A_0 = arith.cmpi eq, %arg0, %eq3A : i32
    %convert_element_type3A = arith.extui %eq3A_0 : i1 to i32
    %cond3A = arith.constant 0 : i32
    %cond3A_1 = arith.cmpi ne, %convert_element_type3A, %cond3A : i32
    scf.if %cond3A_1 {
      %get3A_66 = arith.constant 0 : index
      %get3A_67 = arith.constant 0 : index
      %get3A_68 = vector.load %arg2[%get3A_66, %get3A_67] : memref<4096x64xf32, #tpu.memory_space<vmem>>, vector<4096x64xf32>
      %get3A_69 = arith.constant 0 : index
      %get3A_70 = arith.constant 0 : index
      %get3A_71 = vector.load %arg5[%get3A_69, %get3A_70] : memref<64x64xf32, #tpu.memory_space<vmem>>, vector<64x64xf32>
      %dot_general3A_72 = arith.constant dense<0.000000e+00> : vector<4096x64xf32>
      %dot_general3A_73 = tpu.matmul %get3A_68, %get3A_71, %dot_general3A_72 {dimension_numbers = #tpu.dot_dimension_numbers<[1], [0], [0], [1], [0, 0, 1, 1], [], []>, transpose_lhs_hint = false} : vector<4096x64xf32>, vector<64x64xf32>, vector<4096x64xf32> -> vector<4096x64xf32>
      %get3A_74 = arith.constant 0 : index
      %get3A_75 = arith.constant 0 : index
      %get3A_76 = vector.load %arg7[%get3A_74, %get3A_75] : memref<1x64xf32, #tpu.memory_space<vmem>>, vector<1x64xf32>
      %add3A_77 = vector.broadcast %get3A_76 : vector<1x64xf32> to vector<4096x64xf32>
      %add3A_78 = arith.addf %dot_general3A_73, %add3A_77 : vector<4096x64xf32>
      %swap3A_79 = arith.constant 0 : index
      %swap3A_80 = arith.constant 0 : index
      %swap3A_81 = vector.load %arg12[%swap3A_79, %swap3A_80] : memref<4096x64xf32, #tpu.memory_space<vmem>>, vector<4096x64xf32>
      tpu.vector_store %arg12[%swap3A_79, %swap3A_80], %add3A_78 {strides = array<i32>} : memref<4096x64xf32, #tpu.memory_space<vmem>>, vector<4096x64xf32>,
      %get3A_82 = arith.constant 0 : index
      %get3A_83 = arith.constant 0 : index
      %get3A_84 = vector.load %arg4[%get3A_82, %get3A_83] : memref<64x64xf32, #tpu.memory_space<vmem>>, vector<64x64xf32>
      %dot_general3A_85 = arith.constant dense<0.000000e+00> : vector<4096x64xf32>
      %dot_general3A_86 = tpu.matmul %get3A_68, %get3A_84, %dot_general3A_85 {dimension_numbers = #tpu.dot_dimension_numbers<[1], [0], [0], [1], [0, 0, 1, 1], [], []>, transpose_lhs_hint = false} : vector<4096x64xf32>, vector<64x64xf32>, vector<4096x64xf32> -> vector<4096x64xf32>
      %get3A_87 = arith.constant 0 : index
      %get3A_88 = arith.constant 0 : index
      %get3A_89 = vector.load %arg3[%get3A_87, %get3A_88] : memref<4096x64xf32, #tpu.memory_space<vmem>>, vector<4096x64xf32>
      %mul3A_90 = arith.mulf %dot_general3A_86, %get3A_89 : vector<4096x64xf32>
      %reduce_sum3A = arith.constant dense<0.000000e+00> : vector<4096xf32>
      %reduce_sum3A_91 = vector.multi_reduction <add>, %mul3A_90, %reduce_sum3A [1] : vector<4096x64xf32> to vector<4096xf32>
      %broadcast_in_dim3A = vector.shape_cast %reduce_sum3A_91 : vector<4096xf32> to vector<4096x1xf32>
      %swap3A_92 = arith.constant 0 : index
      %swap3A_93 = arith.constant 0 : index
      %swap3A_94 = vector.load %arg11[%swap3A_92, %swap3A_93] : memref<4096x1xf32, #tpu.memory_space<vmem>>, vector<4096x1xf32>
      tpu.vector_store %arg11[%swap3A_92, %swap3A_93], %broadcast_in_dim3A {strides = array<i32>} : memref<4096x1xf32, #tpu.memory_space<vmem>>, vector<4096x1xf32>,
      %swap3A_95 = arith.constant 0 : index
      %swap3A_96 = arith.constant 0 : index
      %swap3A_97 = vector.load %arg10[%swap3A_95, %swap3A_96] : memref<4096x64xf32, #tpu.memory_space<vmem>>, vector<4096x64xf32>
      tpu.vector_store %arg10[%swap3A_95, %swap3A_96], %get3A_68 {strides = array<i32>} : memref<4096x64xf32, #tpu.memory_space<vmem>>, vector<4096x64xf32>,
    } else {
    }
    %get3A = arith.constant 0 : index
    %get3A_2 = arith.constant 0 : index
    %get3A_3 = arith.constant 0 : index
    %get3A_4 = vector.load %arg1[%get3A, %get3A_2, %get3A_3] : memref<2x2048x128xf32, #tpu.memory_space<vmem>>, vector<1x2048x128xf32>
    %get3A_5 = vector.shape_cast %get3A_4 : vector<1x2048x128xf32> to vector<2048x128xf32>
    %slice3A = vector.extract_strided_slice %get3A_5 {offsets = [0, 0], sizes = [2048, 64], strides = [1, 1]} : vector<2048x128xf32> to vector<2048x64xf32>
    %get3A_6 = arith.constant 0 : index
    %get3A_7 = arith.constant 0 : index
    %get3A_8 = arith.constant 0 : index
    %get3A_9 = vector.load %arg1[%get3A_6, %get3A_7, %get3A_8] : memref<2x2048x128xf32, #tpu.memory_space<vmem>>, vector<1x2048x128xf32>
    %get3A_10 = vector.shape_cast %get3A_9 : vector<1x2048x128xf32> to vector<2048x128xf32>
    %slice3A_11 = vector.extract_strided_slice %get3A_10 {offsets = [0, 64], sizes = [2048, 64], strides = [1, 1]} : vector<2048x128xf32> to vector<2048x64xf32>
    %concatenate3A = tpu.concatenate %slice3A, %slice3A_11 in 0 : vector<2048x64xf32>, vector<2048x64xf32> -> vector<4096x64xf32>
    %get3A_12 = arith.constant 1 : index
    %get3A_13 = arith.constant 0 : index
    %get3A_14 = arith.constant 0 : index
    %get3A_15 = vector.load %arg1[%get3A_12, %get3A_13, %get3A_14] : memref<2x2048x128xf32, #tpu.memory_space<vmem>>, vector<1x2048x128xf32>
    %get3A_16 = vector.shape_cast %get3A_15 : vector<1x2048x128xf32> to vector<2048x128xf32>
    %slice3A_17 = vector.extract_strided_slice %get3A_16 {offsets = [0, 0], sizes = [2048, 64], strides = [1, 1]} : vector<2048x128xf32> to vector<2048x64xf32>
    %get3A_18 = arith.constant 1 : index
    %get3A_19 = arith.constant 0 : index
    %get3A_20 = arith.constant 0 : index
    %get3A_21 = vector.load %arg1[%get3A_18, %get3A_19, %get3A_20] : memref<2x2048x128xf32, #tpu.memory_space<vmem>>, vector<1x2048x128xf32>
    %get3A_22 = vector.shape_cast %get3A_21 : vector<1x2048x128xf32> to vector<2048x128xf32>
    %slice3A_23 = vector.extract_strided_slice %get3A_22 {offsets = [0, 64], sizes = [2048, 64], strides = [1, 1]} : vector<2048x128xf32> to vector<2048x64xf32>
    %concatenate3A_24 = tpu.concatenate %slice3A_17, %slice3A_23 in 0 : vector<2048x64xf32>, vector<2048x64xf32> -> vector<4096x64xf32>
    %concatenate3A_25 = tpu.concatenate %concatenate3A, %concatenate3A_24 in 0 : vector<4096x64xf32>, vector<4096x64xf32> -> vector<8192x64xf32>
    %convert_element_type3A_26 = arith.truncf %concatenate3A_25 : vector<8192x64xf32> to vector<8192x64xbf16>
    %get3A_27 = arith.constant 0 : index
    %get3A_28 = arith.constant 0 : index
    %get3A_29 = vector.load %arg6[%get3A_27, %get3A_28] : memref<64x64xf32, #tpu.memory_space<vmem>>, vector<64x64xf32>
    %convert_element_type3A_30 = arith.truncf %get3A_29 : vector<64x64xf32> to vector<64x64xbf16>
    %dot_general3A = arith.constant dense<0.000000e+00> : vector<8192x64xf32>
    %dot_general3A_31 = tpu.matmul %convert_element_type3A_26, %convert_element_type3A_30, %dot_general3A {dimension_numbers = #tpu.dot_dimension_numbers<[1], [0], [0], [1], [0, 0, 1, 1], [], []>, transpose_lhs_hint = false} : vector<8192x64xbf16>, vector<64x64xbf16>, vector<8192x64xf32> -> vector<8192x64xf32>
    %get3A_32 = arith.constant 0 : index
    %get3A_33 = arith.constant 0 : index
    %get3A_34 = vector.load %arg12[%get3A_32, %get3A_33] : memref<4096x64xf32, #tpu.memory_space<vmem>>, vector<4096x64xf32>
    %concatenate3A_35 = tpu.concatenate %get3A_34, %get3A_34 in 0 : vector<4096x64xf32>, vector<4096x64xf32> -> vector<8192x64xf32>
    %add3A = arith.addf %dot_general3A_31, %concatenate3A_35 : vector<8192x64xf32>
    %max3A = arith.constant 0.000000e+00 : f32
    %max3A_36 = vector.broadcast %max3A : f32 to vector<8192x64xf32>
    %max3A_37 = arith.maximumf %add3A, %max3A_36 : vector<8192x64xf32>
    %convert_element_type3A_38 = arith.truncf %max3A_37 : vector<8192x64xf32> to vector<8192x64xbf16>
    %get3A_39 = arith.constant 0 : index
    %get3A_40 = arith.constant 0 : index
    %get3A_41 = vector.load %arg8[%get3A_39, %get3A_40] : memref<1x64xf32, #tpu.memory_space<vmem>>, vector<1x64xf32>
    %convert_element_type3A_42 = arith.truncf %get3A_41 : vector<1x64xf32> to vector<1x64xbf16>
    %transpose3A = tpu.transpose %convert_element_type3A_42, [1, 0] : vector<1x64xbf16> -> vector<64x1xbf16>
    %dot_general3A_43 = arith.constant dense<0.000000e+00> : vector<8192x1xf32>
    %dot_general3A_44 = tpu.matmul %convert_element_type3A_38, %transpose3A, %dot_general3A_43 {dimension_numbers = #tpu.dot_dimension_numbers<[1], [0], [0], [1], [0, 0, 1, 1], [], []>, transpose_lhs_hint = false} : vector<8192x64xbf16>, vector<64x1xbf16>, vector<8192x1xf32> -> vector<8192x1xf32>
    %get3A_45 = arith.constant 0 : index
    %get3A_46 = arith.constant 0 : index
    %get3A_47 = vector.load %arg9[%get3A_45, %get3A_46] : memref<1x1xf32, #tpu.memory_space<vmem>>, vector<1x1xf32>
    %get3A_48 = vector.extract %get3A_47[0, 0] : f32 from vector<1x1xf32>
    %add3A_49 = vector.broadcast %get3A_48 : f32 to vector<8192x1xf32>
    %add3A_50 = arith.addf %dot_general3A_44, %add3A_49 : vector<8192x1xf32>
    %logistic3A = arith.negf %add3A_50 : vector<8192x1xf32>
    %logistic3A_51 = math.exp %logistic3A : vector<8192x1xf32>
    %logistic3A_52 = arith.constant 1.000000e+00 : f32
    %logistic3A_53 = vector.broadcast %logistic3A_52 : f32 to vector<8192x1xf32>
    %logistic3A_54 = arith.addf %logistic3A_53, %logistic3A_51 : vector<8192x1xf32>
    %logistic3A_55 = arith.divf %logistic3A_53, %logistic3A_54 : vector<8192x1xf32>
    %mul3A = vector.broadcast %logistic3A_55 : vector<8192x1xf32> to vector<8192x64xf32>
    %mul3A_56 = arith.mulf %mul3A, %concatenate3A_25 : vector<8192x64xf32>
    %slice3A_57 = vector.extract_strided_slice %mul3A_56 {offsets = [0, 0], sizes = [4096, 64], strides = [1, 1]} : vector<8192x64xf32> to vector<4096x64xf32>
    %slice3A_58 = vector.extract_strided_slice %mul3A_56 {offsets = [4096, 0], sizes = [4096, 64], strides = [1, 1]} : vector<8192x64xf32> to vector<4096x64xf32>
    %add3A_59 = arith.addf %slice3A_57, %slice3A_58 : vector<4096x64xf32>
    %get3A_60 = arith.constant 0 : index
    %get3A_61 = arith.constant 0 : index
    %get3A_62 = vector.load %arg10[%get3A_60, %get3A_61] : memref<4096x64xf32, #tpu.memory_space<vmem>>, vector<4096x64xf32>
    %add3A_63 = arith.addf %get3A_62, %add3A_59 : vector<4096x64xf32>
    %swap3A = arith.constant 0 : index
    %swap3A_64 = arith.constant 0 : index
    %swap3A_65 = vector.load %arg10[%swap3A, %swap3A_64] : memref<4096x64xf32, #tpu.memory_space<vmem>>, vector<4096x64xf32>
    tpu.vector_store %arg10[%swap3A, %swap3A_64], %add3A_63 {strides = array<i32>} : memref<4096x64xf32, #tpu.memory_space<vmem>>, vector<4096x64xf32>,
    return
  }
  func.func @transform_0(%arg0: i32) -> (i32, i32, i32) {
    %c0_i32 = arith.constant 0 : i32
    %c0_i32_0 = arith.constant 0 : i32
    %c0_i32_1 = arith.constant 0 : i32
    return %arg0, %c0_i32, %c0_i32_0 : i32, i32, i32
  }
  func.func @transform_1(%arg0: i32) -> (i32, i32) {
    %c0_i32 = arith.constant 0 : i32
    %c0_i32_0 = arith.constant 0 : i32
    %c0_i32_1 = arith.constant 0 : i32
    return %c0_i32, %c0_i32_0 : i32, i32
  }
  func.func @transform_2(%arg0: i32) -> (i32, i32) {
    %c0_i32 = arith.constant 0 : i32
    %c0_i32_0 = arith.constant 0 : i32
    %c0_i32_1 = arith.constant 0 : i32
    return %c0_i32, %c0_i32_0 : i32, i32
  }
  func.func @transform_3(%arg0: i32) -> (i32, i32) {
    %c0_i32 = arith.constant 0 : i32
    %c0_i32_0 = arith.constant 0 : i32
    %c0_i32_1 = arith.constant 0 : i32
    return %c0_i32, %c0_i32_0 : i32, i32
  }
  func.func @transform_4(%arg0: i32) -> (i32, i32) {
    %c0_i32 = arith.constant 0 : i32
    %c0_i32_0 = arith.constant 0 : i32
    %c0_i32_1 = arith.constant 0 : i32
    return %c0_i32, %c0_i32_0 : i32, i32
  }
  func.func @transform_5(%arg0: i32) -> (i32, i32) {
    %c0_i32 = arith.constant 0 : i32
    %c0_i32_0 = arith.constant 0 : i32
    %c0_i32_1 = arith.constant 0 : i32
    return %c0_i32, %c0_i32_0 : i32, i32
  }
  func.func @transform_6(%arg0: i32) -> (i32, i32) {
    %c0_i32 = arith.constant 0 : i32
    %c0_i32_0 = arith.constant 0 : i32
    %c0_i32_1 = arith.constant 0 : i32
    return %c0_i32, %c0_i32_0 : i32, i32
  }
  func.func @transform_7(%arg0: i32) -> (i32, i32) {
    %c0_i32 = arith.constant 0 : i32
    %c0_i32_0 = arith.constant 0 : i32
    %c0_i32_1 = arith.constant 0 : i32
    return %c0_i32, %c0_i32_0 : i32, i32
  }
  func.func @transform_8(%arg0: i32) -> (i32, i32) {
    %c0_i32 = arith.constant 0 : i32
    %c0_i32_0 = arith.constant 0 : i32
    %c0_i32_1 = arith.constant 0 : i32
    return %c0_i32, %c0_i32_0 : i32, i32
  }
  func.func @transform_9(%arg0: i32) -> (i32, i32) {
    %c0_i32 = arith.constant 0 : i32
    %c0_i32_0 = arith.constant 0 : i32
    %c0_i32_1 = arith.constant 0 : i32
    return %c0_i32, %c0_i32_0 : i32, i32
  }
  func.func @transform_10(%arg0: i32) -> (i32, i32) {
    %c0_i32 = arith.constant 0 : i32
    %c0_i32_0 = arith.constant 0 : i32
    %c0_i32_1 = arith.constant 0 : i32
    return %c0_i32, %c0_i32_0 : i32, i32
  }
}

</mosaic_0001>

<sc_bundles>
// kernel: kernel.11.cloned.1.call-start
scs
__scs_entry_jumppad:
0x0: {  	(pc) =	sbr.rel $0x88, $3  }
0x1: {  	(tag) =	ssettag $0x0;
	lr =	simm.s32 $0x1  }
0x2: {  	[smem:$0x3F97] =	sst lr;
	_ =	strace $0xD0000000  }
0x3: {  	_ = 	snop  }
0x4: {  	_ = 	snop  }
0x5: {  	_ = 	snop  }
0x6: {  	_ = 	snop  }
0x7: {  	_ = 	snop  }
__scs_overlays_trampoline_lowered:
0x8: {  	[smem:$0x3FA6] =	sst s0  }
0x9: {  	[smem:$0x3FA7] =	sst s1  }
0xa: {  	[smem:$0x3FA8] =	sst s2  }
0xb: {  	[smem:$0x3FA9] =	sst s3  }
0xc: {  	[smem:$0x3FAA] =	sst s4  }
0xd: {  	[smem:$0x3FAB] =	sst s5  }
0xe: {  	[smem:$0x3FAC] =	sst s6  }
0xf: {  	[smem:$0x3FAD] =	sst s7  }
0x10: {  	[smem:$0x3FAE] =	sst s8  }
0x11: {  	[smem:$0x3FAF] =	sst s9;
	s0 =	simm.s32 @!p0 $0x0  }
0x12: {  	s1 =	sld [smem:$0x3F95];
	s0 =	simm.s32 @p0 $0x1  }
0x13: {  	[smem:$0x3FB0] =	sst s0;
	s0 =	simm.s32 @!p1 $0x0  }
0x14: {  	s2 =	sld [smem:$0x3F94];
	s0 =	simm.s32 @p1 $0x1  }
0x15: {  	[smem:$0x3FB1] =	sst s0;
	s0 =	simm.s32 @!p2 $0x0  }
0x16: {  	s3 =	sld [smem:$0x3FDB];
	s0 =	simm.s32 @p2 $0x1  }
0x17: {  	s4 =	simm.s32 $0x1BF5;
	[smem:$0x3FB3] =	sst s0  }
0x18: {  	s0 =	sld [smem:$0x3F96];
	_ =	swait.ge [sflag:s4], $0x0  }
0x19: {  	s7 =	sld [smem:$0x3F97]  }
0x1a: {  	s8 =	sadd.s32 $0xFFFFE003, lr  }
0x1b: {  	s9 =	sadd.s32 $0xFFFFFEF7, lr;
	s5 =	simm.s32 $0xFFFFFFFF;
	p2 =	slt.u32 s8, $0xFFFFF086  }
0x1c: {  	p1 =	slt.u32 s9, $0xF7A;
	s5 =	simm.s32 @!p2 $0x0  }
0x1d: {  	s5 =	simm.s32 @p1 $0x1;
	p0 =	seq.s32 s7, s2  }
0x1e: {  	s7 =	smul.u32 @!p0 $0xF7A, s2;
	p2 =	seq.s32 @!p0 s5, $0x0  }
0x1f: {  	s9 =	smul.u32 $0xF7A, s1;
	s8 =	simm.s32 @!p0 $0x1BF5;
	p2 =	por !p2, p0  }
0x20: {  	[sflag:s8] =	ssyncset.s32 @!p0 $0xFFFFF086;
	s6 =	sadd.s32 @!p0 s3, s7;
	s7 =	simm.s32 @!p0 $0x108  }
0x21: {  	s3 =	sadd.s32 s3, s9;
	s6 =	sadd.s32 @!p0 $0x88, s6;
	s7 =	simm.s32 @p2 $0x1082  }
0x22: {  	[simem:s7], [sflag:s8] =	dma.local @!p0 [hbm:s6], $0xF7A  }
0x23: {  	s9 =	sor.u32 $0xD0000000, s2;
	s6 =	simm.s32 $0x108;
	_ =	swait.ge @!p0 [sflag:s8], $0x0  }
0x24: {  	s3 =	sadd.s32 $0x88, s3;
	s6 =	simm.s32 @!p1 $0x1082;
	[sflag:s4] =	ssyncset.s32 $0xFFFFF086  }
0x25: {  	[simem:s6], [sflag:s4] =	dma.local [hbm:s3], $0xF7A  }
0x26: {  	[smem:$0x3F97] =	sst s1;
	(tag) =	ssettag s2;
	_ =	strace s9  }
0x27: {  	s1 =	sld [smem:$0x3FA7]  }
0x28: {  	s2 =	sld [smem:$0x3FA8]  }
0x29: {  	s4 =	sld [smem:$0x3FAA]  }
0x2a: {  	p0 =	seq.s32 s5, $0x0;
	s5 =	sld [smem:$0x3FAB]  }
0x2b: {  	s6 =	sld [smem:$0x3FAC]  }
0x2c: {  	s7 =	sld [smem:$0x3FAD]  }
0x2d: {  	s3 =	simm.s32 $0x108;
	s8 =	sld [smem:$0x3FAE]  }
0x2e: {  	s3 =	simm.s32 @!p0 $0x1082;
	s9 =	sld [smem:$0x3FAF]  }
0x2f: {  	lr =	sadd.s32 s0, s3;
	s0 =	sld [smem:$0x3FA6]  }
0x30: {  	s3 =	sld [smem:$0x3FA9]  }
0x31: {  	[smem:$0x3FB2] =	sst s10  }
0x32: {  	s10 =	sld [smem:$0x3FB0];
	_ =	sdelay $0x3  }
0x33: {  	p0 =	seq.s32 s10, $0x1;
	s10 =	sld [smem:$0x3FB2];
	_ =	sdelay $0x3  }
0x34: {  	[smem:$0x3FB2] =	sst s10  }
0x35: {  	s10 =	sld [smem:$0x3FB1];
	_ =	sdelay $0x3  }
0x36: {  	p1 =	seq.s32 s10, $0x1;
	s10 =	sld [smem:$0x3FB2];
	_ =	sdelay $0x3  }
0x37: {  	[smem:$0x3FB2] =	sst s10  }
0x38: {  	s10 =	sld [smem:$0x3FB3]  }
0x39: {  	_ = 	snop;
	(pc) =	sbr.ind lr, $3  }
0x3a: {  	_ = 	snop  }
0x3b: {  	_ = 	snop  }
0x3c: {  	p2 =	seq.s32 s10, $0x1;
	s10 =	sld [smem:$0x3FB2]  }
0x3d: {  	_ =	shalt  }
0x3e: {  	_ =	shalt  }
0x3f: {  	_ =	shalt  }
0x40: {  	_ =	shalt  }
0x41: {  	_ =	shalt  }
0x42: {  	_ =	shalt  }
0x43: {  	_ =	shalt  }
0x44: {  	_ =	shalt  }
0x45: {  	_ =	shalt  }
0x46: {  	_ =	shalt  }
0x47: {  	_ =	shalt  }
0x48: {  	_ =	shalt  }
0x49: {  	_ =	shalt  }
0x4a: {  	_ =	shalt  }
0x4b: {  	_ =	shalt  }
0x4c: {  	_ =	shalt  }
0x4d: {  	_ =	shalt  }
0x4e: {  	_ =	shalt  }
0x4f: {  	_ =	shalt  }
0x50: {  	_ =	shalt  }
0x51: {  	_ =	shalt  }
0x52: {  	_ =	shalt  }
0x53: {  	_ =	shalt  }
0x54: {  	_ =	shalt  }
0x55: {  	_ =	shalt  }
0x56: {  	_ =	shalt  }
0x57: {  	_ =	shalt  }
0x58: {  	_ =	shalt  }
0x59: {  	_ =	shalt  }
0x5a: {  	_ =	shalt  }
0x5b: {  	_ =	shalt  }
0x5c: {  	_ =	shalt  }
0x5d: {  	_ =	shalt  }
0x5e: {  	_ =	shalt  }
0x5f: {  	_ =	shalt  }
0x60: {  	_ =	shalt  }
0x61: {  	_ =	shalt  }
0x62: {  	_ =	shalt  }
0x63: {  	_ =	shalt  }
0x64: {  	_ =	shalt  }
0x65: {  	_ =	shalt  }
0x66: {  	_ =	shalt  }
0x67: {  	_ =	shalt  }
0x68: {  	_ =	shalt  }
0x69: {  	_ =	shalt  }
0x6a: {  	_ =	shalt  }
0x6b: {  	_ =	shalt  }
0x6c: {  	_ =	shalt  }
0x6d: {  	_ =	shalt  }
0x6e: {  	_ =	shalt  }
0x6f: {  	_ =	shalt  }
0x70: {  	_ =	shalt  }
0x71: {  	_ =	shalt  }
0x72: {  	_ =	shalt  }
0x73: {  	_ =	shalt  }
0x74: {  	_ =	shalt  }
0x75: {  	_ =	shalt  }
0x76: {  	_ =	shalt  }
0x77: {  	_ =	shalt  }
0x78: {  	_ =	shalt  }
0x79: {  	_ =	shalt  }
0x7a: {  	_ =	shalt  }
0x7b: {  	_ =	shalt  }
0x7c: {  	_ =	shalt  }
0x7d: {  	_ =	shalt  }
0x7e: {  	_ =	shalt  }
0x7f: {  	_ =	shalt  }
0x80: {  	_ =	shalt  }
0x81: {  	_ =	shalt  }
0x82: {  	_ =	shalt  }
0x83: {  	_ =	shalt  }
0x84: {  	_ =	shalt  }
0x85: {  	_ =	shalt  }
0x86: {  	_ =	shalt  }
0x87: {  	_ =	shalt  }
.Lfunc_end0:
.L_simem_size_0:
called_computation.1_lowered:
.L_overlay_start_0:
0x88: {  	s2 =	sld [smem:$0x3FD9]  }
0x89: {  	s3 =	sld [smem:$0x3FFE];
	_ =	sdelay $0x1  }
0x8a: {  	s1 =	srdreg.scid  }
0x8b: {  	s0 =	sand.u32 $0x1, s1  }
0x8c: {  	s14 =	sshll.u32 s0, $0xA;
	s2 =	sadd.s32 s3, s2  }
0x8d: {  	s2 =	sadd.s32 s2, s14  }
0x8e: {  	[smem:$0x3FBE] =	sst s2  }
0x8f: {  	_ = 	snop  }
0x90: {  	s2 =	sld [smem:$0x3FD0];
	_ =	sdelay $0x2  }
0x91: {  	s15 =	simm.s32 $0xB;
	s4 =	simm.s32 $0x10  }
0x92: {  	[smem:s4], [sflag:s15] =	dma.local [hbm:s2], $0x1  }
0x93: {  	_ =	swait.eq [sflag:s15], $0x1  }
0x94: {  	[sflag:s15] =	ssyncset.done $0x0  }
0x95: {  	[sflag:s15] =	ssyncadd.s32 $0xFFFFFFFF  }
0x96: {  	s16 =	sld [smem:$0x10];
	(tm) =	ssettm $0x1  }
0x97: {  	s17 =	sld [smem:$0x3FFB];
	_ =	sdelay $0x3  }
0x98: {  	_ =	strace s17  }
0x99: {  	s3 =	sld [smem:$0x3FFC];
	_ =	sdelay $0x3  }
0x9a: {  	_ =	strace s3  }
0x9b: {  	s3 =	sld [smem:$0x3FFD];
	_ =	sdelay $0x3  }
0x9c: {  	_ =	strace s3  }
0x9d: {  	_ =	strace $0x8FFFFFFF  }
0x9e: {  	s18 =	sld [smem:$0x3FDB];
	_ =	sdelay $0x1  }
0x9f: {  	s19 =	simm.s32 $_scs_section_size  }
0xa0: {  	s5 =	simm.s32 $_size__tile_overlayer_lowered;
	s6 =	simm.s32 $_tile_overlayer_lowered  }
0xa1: {  	s22 =	simm.s32 $0x1BFF;
	s21 =	sshll.u32 s6, $0x1;
	s3 =	sadd.s32 s19, s18  }
0xa2: {  	s7 =	simm.s32 $0x0;
	s20 =	sshll.u32 s5, $0x1;
	s5 =	sadd.s32 s21, s3  }
0xa3: {  	[timem:s7], [sflag:s22] =	dma.local [hbm:s5], s20  }
0xa4: {  	_ =	swait.ge [sflag:s22], s20  }
0xa5: {  	s4 =	ssub.s32 $0x0, s20;
	[sflag:s22] =	ssyncset.done $0x0  }
0xa6: {  	[sflag:s22] =	ssyncadd.s32 s4;
	_ =	sdelay $0x1  }
0xa7: {  	s23 =	simm.s32 $0x1B8B  }
0xa8: {  	_ =	swait.ge [sflag:s23], $0x1  }
0xa9: {  	[sflag:s23] =	ssyncset.done $0x0  }
0xaa: {  	s25 =	simm.s32 $0x1B8E;
	s24 =	sld [smem:$0x3FFE];
	[sflag:s23] =	ssyncadd.s32 $0xFFFFFFFF  }
0xab: {  	s26 =	simm.s32 $execute0_lowered;
	[smem:$0x3FD2] =	sst s25  }
0xac: {  	s5 =	sshll.u32 s26, $0x1;
	_ =	strace $0x80000046;
	[dreg:$0x1] =	wrdreg $0xFFFFFFFF  }
0xad: {  	s28 =	simm.s32 $_size_execute0_lowered;
	s3 =	sadd.s32 s3, s5;
	[dreg:$0x0] =	wrdreg $0x0  }
0xae: {  	s5 =	sshll.u32 s28, $0x1;
	[dreg:$0x2] =	wrdreg s3  }
0xaf: {  	[dreg:$0x3] =	wrdreg s5  }
0xb0: {  	[dreg:$0x4] =	wrdreg $0xC0  }
0xb1: {  	_ =	task [dreg:s7], $0x5FFFF  }
0xb2: {  	[dreg:$0x1] =	wrdreg $0xFFFFFFFF  }
0xb3: {  	[dreg:$0x0] =	wrdreg $0x60  }
0xb4: {  	[dreg:$0x2] =	wrdreg s24  }
0xb5: {  	[dreg:$0x3] =	wrdreg s16  }
0xb6: {  	[dreg:$0x4] =	wrdreg $0xA  }
0xb7: {  	_ =	task.clear_ibuf [dreg:s7], $0x5FFFF;
	_ =	strace $0x90000046  }
0xb8: {  	s29 =	simm.s32 $0xA;
	_ =	strace $0x80000048  }
0xb9: {  	_ =	swait.ge [sflag:s29], $0x1  }
0xba: {  	[sflag:s29] =	ssyncadd.s32 $0xFFFFFFFF  }
0xbb: {  	_ =	strace $0x90000048  }
0xbc: {  	_ =	sfence  }
0xbd: {  	s30 =	sld [smem:$0x0];
	_ =	sdelay $0x2  }
0xbe: {  	s31 =	sshll.u32 s1, $0xD;
	s1 =	sshrl.u32 s1, $0x2  }
0xbf: {  	s3 =	sand.u32 $0x4000, s31;
	s1 =	sadd.s32 s1, s30  }
0xc0: {  	s0 =	sor.u32 s3, s0;
	s1 =	sshll.u32 s1, $0x11  }
0xc1: {  	s0 =	sor.u32 s1, s0  }
0xc2: {  	s0 =	sadd.s32 $0x8F2B, s0  }
0xc3: {  	[sflag:s0] =	ssyncadd.remote.s32 $0x1  }
0xc4: {  	_ =	sfence.sel $0xFFFF  }
0xc5: {  	[dreg:$0x0] =	wrdreg $0xFFFFFFFF;
	(pc) =	sbr.abs _section_cstart, $3  }
0xc6: {  	[dreg:$0x1] =	wrdreg $0xFFFFFFFF  }
0xc7: {  	_ =	task.clear_ibuf [dreg:s7], $0x2FFFF;
	_ =	strace $0x9FFFFFFF  }
0xc8: {  	(tm) =	ssettm $0x7FFFFFFF  }
0xc9: {  	_ =	shalt  }
tec
execute0_lowered:
.L_overlay_start_1:
0x0: {  	(tag) =	ssettag $0x1  }
0x1: {  	s1 =	srdreg.scid  }
0x2: {  	s0 =	stileid.u32;
	s6 =	sand.u32 $0x1, s1  }
0x3: {  	s5 =	rddreg [dreg:$0x0];
	s30 =	sshll.u32 s0, $0x8;
	s2 =	sshll.u32 s6, $0x7  }
0x4: {  	s8 =	rddreg [dreg:$0x1];
	s9 =	sor.u32 s2, s30  }
0x5: {  	s1 =	rddreg [dreg:$0x2];
	s2 =	simm.s32 $0x0;
	s3 =	sshrl.u32 s9, $0x3  }
0x6: {  	s10 =	ssub.s32 $0x2, s6;
	[smem:$0x7FF] =	sst s2;
	s3 =	sadd.s32 s3, s5  }
0x7: {  	_ =	strace $0x80000047;
	s4 =	sadd.s32 $0x2000, s3;
	s3 =	simm.s32 $0x2  }
0x8: {  	[tilespmem:s2], [sflag:$0x2] =	stream.linear.gather [hbm4b:s4+s2], $0x80, $0x38;
	[tilespmem:$0x2080] =	vst v63  }
0x9: {  	s7 =	simm.s32 $0x1;
	s11 =	sshrl.u32 s10, $0x1;
	_ =	swait.ge [sflag:s3], $0x80  }
0xa: {  	s6 =	simm.s32 $0x80;
	s10 =	ssub.s32 s10, s11;
	[sflag:s3] =	ssyncset.done $0x0  }
0xb: {  	s5 =	sadd.s32 $0x2200, s5;
	s31 =	smax.u32 s10, $0x1;
	[sflag:s3] =	ssyncadd.s32 $0xFFFFFF80  }
0xc: {  	[tilespmem:s6], [sflag:$0x1] =	stream.indirect.gather [hbm4b:s5+s6], $0x40, s2, s6, $0xb8;
	[tilespmem:$0x2080] =	vst v63  }
0xd: {  	p0 =	sne.s32 s31, $0x1;
	_ =	swait.ge [sflag:s7], $0x2000  }
.Ltmp0:
0xe: {  	s9 =	sshll.u32 s9, $0x3;
	[sflag:s7] =	ssyncset.done $0x0;
	(pc) =	sbr.rel @!p0 .LBB2_2-.Ltmp0, $4  }
0xf: {  	s8 =	sadd.s32 s8, s9;
	[sflag:s7] =	ssyncadd.s32 $0xFFFFE000  }
0x10: {  	[hbm4b:s8+s2] =	stream.linear.scatter [tilespmem:s6], [sflag:$0x2], $0x2000, $0x38;
	[tilespmem:$0x2080] =	vst v63  }
0x11: {  	_ =	swait.ge [sflag:s3], $0x2000  }
0x12: {  	s9 =	sadd.s32 $0xFFFFFFFF, s31;
	[sflag:s3] =	ssyncset.done $0x0  }
.LBB2_1:
0x13: {  	p0 =	sne.s32 s9, $0x1;
	s9 =	sadd.s32 $0xFFFFFFFF, s9;
	[sflag:s3] =	ssyncadd.s32 $0xFFFFE000  }
0x14: {  	[tilespmem:s2], [sflag:$0x2] =	stream.linear.gather [hbm4b:s4+s2], $0x80, $0x38;
	[tilespmem:$0x2080] =	vst v63  }
0x15: {  	_ =	swait.ge [sflag:s3], $0x80  }
0x16: {  	[sflag:s3] =	ssyncset.done $0x0  }
0x17: {  	[sflag:s3] =	ssyncadd.s32 $0xFFFFFF80  }
0x18: {  	[tilespmem:s6], [sflag:$0x1] =	stream.indirect.gather [hbm4b:s5+s6], $0x40, s2, s6, $0xb8;
	[tilespmem:$0x2080] =	vst v63  }
0x19: {  	_ =	swait.ge [sflag:s7], $0x2000  }
.Ltmp1:
0x1a: {  	[sflag:s7] =	ssyncset.done $0x0;
	(pc) =	sbr.rel @p0 .LBB2_1-.Ltmp1, $4  }
0x1b: {  	[sflag:s7] =	ssyncadd.s32 $0xFFFFE000  }
0x1c: {  	[hbm4b:s8+s2] =	stream.linear.scatter [tilespmem:s6], [sflag:$0x2], $0x2000, $0x38;
	[tilespmem:$0x2080] =	vst v63  }
0x1d: {  	_ =	swait.ge [sflag:s3], $0x2000  }
0x1e: {  	[sflag:s3] =	ssyncset.done $0x0  }
.LBB2_2:
0x1f: {  	[sflag:s3] =	ssyncadd.s32 $0xFFFFE000  }
0x20: {  	_ =	sfence.sel $0x180000  }
0x21: {  	[bflag:$0x0] =	sbarrier.arrive $0xFFFF  }
0x22: {  	p0 =	sne.s32 s0, $0x0;
	_ =	strace $0x90000047  }
0x23: {  	s0 =	sadd.s32 @!p0 $0x100000, s1;
	[bflag:$0x2] =	sbarrier.arrive $0xFFFF  }
0x24: {  	[sflag:s0] =	ssyncadd.tile.s32 @!p0 $0x1;
	_ =	shalt  }
.Lfunc_end2:
_tile_overlayer_lowered:
.L_overlay_start_2:
0x25: {  	(tag) =	ssettag $0x2  }
0x26: {  	s0 =	rddreg [dreg:$0x0];
	s2 =	stileid.u32  }
0x27: {  	s1 =	rddreg [dreg:$0x1];
	p0 =	sne.s32 s2, $0x0  }
0x28: {  	s3 =	rddreg [dreg:$0x2];
	[bflag:$0x3] =	sbarrier.arrive $0xFFFF;
	s2 =	simm.s32 @!p0 $0x1C02  }
0x29: {  	[timem:s3], [sflag:s2] =	dma.local @!p0 [hbm:s0], s1  }
0x2a: {  	s0 =	simm.s32 @!p0 $0x2  }
0x2b: {  	_ =	swait.ge @!p0 [sflag:s0], s1  }
0x2c: {  	s1 =	ssub.s32 @!p0 $0x0, s1;
	[sflag:s0] =	ssyncset.done @!p0 $0x0  }
0x2d: {  	[sflag:s0] =	ssyncadd.s32 @!p0 s1  }
0x2e: {  	[bflag:$0x3] =	sbarrier.arrive $0xFFFF  }
0x2f: {  	_ =	shalt  }

// kernel: kernel.8.cloned.1.call-start
scs
__scs_entry_jumppad:
0x0: {  	(pc) =	sbr.rel $0x88, $3  }
0x1: {  	(tag) =	ssettag $0x0;
	lr =	simm.s32 $0x1  }
0x2: {  	[smem:$0x3F97] =	sst lr;
	_ =	strace $0xD0000000  }
0x3: {  	_ = 	snop  }
0x4: {  	_ = 	snop  }
0x5: {  	_ = 	snop  }
0x6: {  	_ = 	snop  }
0x7: {  	_ = 	snop  }
__scs_overlays_trampoline_lowered:
0x8: {  	[smem:$0x3FA6] =	sst s0  }
0x9: {  	[smem:$0x3FA7] =	sst s1  }
0xa: {  	[smem:$0x3FA8] =	sst s2  }
0xb: {  	[smem:$0x3FA9] =	sst s3  }
0xc: {  	[smem:$0x3FAA] =	sst s4  }
0xd: {  	[smem:$0x3FAB] =	sst s5  }
0xe: {  	[smem:$0x3FAC] =	sst s6  }
0xf: {  	[smem:$0x3FAD] =	sst s7  }
0x10: {  	[smem:$0x3FAE] =	sst s8  }
0x11: {  	[smem:$0x3FAF] =	sst s9;
	s0 =	simm.s32 @!p0 $0x0  }
0x12: {  	s1 =	sld [smem:$0x3F95];
	s0 =	simm.s32 @p0 $0x1  }
0x13: {  	[smem:$0x3FB0] =	sst s0;
	s0 =	simm.s32 @!p1 $0x0  }
0x14: {  	s2 =	sld [smem:$0x3F94];
	s0 =	simm.s32 @p1 $0x1  }
0x15: {  	[smem:$0x3FB1] =	sst s0;
	s0 =	simm.s32 @!p2 $0x0  }
0x16: {  	s3 =	sld [smem:$0x3FDB];
	s0 =	simm.s32 @p2 $0x1  }
0x17: {  	s4 =	simm.s32 $0x1BF5;
	[smem:$0x3FB3] =	sst s0  }
0x18: {  	s0 =	sld [smem:$0x3F96];
	_ =	swait.ge [sflag:s4], $0x0  }
0x19: {  	s7 =	sld [smem:$0x3F97]  }
0x1a: {  	s8 =	sadd.s32 $0xFFFFE003, lr  }
0x1b: {  	s9 =	sadd.s32 $0xFFFFFEF7, lr;
	s5 =	simm.s32 $0xFFFFFFFF;
	p2 =	slt.u32 s8, $0xFFFFF086  }
0x1c: {  	p1 =	slt.u32 s9, $0xF7A;
	s5 =	simm.s32 @!p2 $0x0  }
0x1d: {  	s5 =	simm.s32 @p1 $0x1;
	p0 =	seq.s32 s7, s2  }
0x1e: {  	s7 =	smul.u32 @!p0 $0xF7A, s2;
	p2 =	seq.s32 @!p0 s5, $0x0  }
0x1f: {  	s9 =	smul.u32 $0xF7A, s1;
	s8 =	simm.s32 @!p0 $0x1BF5;
	p2 =	por !p2, p0  }
0x20: {  	[sflag:s8] =	ssyncset.s32 @!p0 $0xFFFFF086;
	s6 =	sadd.s32 @!p0 s3, s7;
	s7 =	simm.s32 @!p0 $0x108  }
0x21: {  	s3 =	sadd.s32 s3, s9;
	s6 =	sadd.s32 @!p0 $0x88, s6;
	s7 =	simm.s32 @p2 $0x1082  }
0x22: {  	[simem:s7], [sflag:s8] =	dma.local @!p0 [hbm:s6], $0xF7A  }
0x23: {  	s9 =	sor.u32 $0xD0000000, s2;
	s6 =	simm.s32 $0x108;
	_ =	swait.ge @!p0 [sflag:s8], $0x0  }
0x24: {  	s3 =	sadd.s32 $0x88, s3;
	s6 =	simm.s32 @!p1 $0x1082;
	[sflag:s4] =	ssyncset.s32 $0xFFFFF086  }
0x25: {  	[simem:s6], [sflag:s4] =	dma.local [hbm:s3], $0xF7A  }
0x26: {  	[smem:$0x3F97] =	sst s1;
	(tag) =	ssettag s2;
	_ =	strace s9  }
0x27: {  	s1 =	sld [smem:$0x3FA7]  }
0x28: {  	s2 =	sld [smem:$0x3FA8]  }
0x29: {  	s4 =	sld [smem:$0x3FAA]  }
0x2a: {  	p0 =	seq.s32 s5, $0x0;
	s5 =	sld [smem:$0x3FAB]  }
0x2b: {  	s6 =	sld [smem:$0x3FAC]  }
0x2c: {  	s7 =	sld [smem:$0x3FAD]  }
0x2d: {  	s3 =	simm.s32 $0x108;
	s8 =	sld [smem:$0x3FAE]  }
0x2e: {  	s3 =	simm.s32 @!p0 $0x1082;
	s9 =	sld [smem:$0x3FAF]  }
0x2f: {  	lr =	sadd.s32 s0, s3;
	s0 =	sld [smem:$0x3FA6]  }
0x30: {  	s3 =	sld [smem:$0x3FA9]  }
0x31: {  	[smem:$0x3FB2] =	sst s10  }
0x32: {  	s10 =	sld [smem:$0x3FB0];
	_ =	sdelay $0x3  }
0x33: {  	p0 =	seq.s32 s10, $0x1;
	s10 =	sld [smem:$0x3FB2];
	_ =	sdelay $0x3  }
0x34: {  	[smem:$0x3FB2] =	sst s10  }
0x35: {  	s10 =	sld [smem:$0x3FB1];
	_ =	sdelay $0x3  }
0x36: {  	p1 =	seq.s32 s10, $0x1;
	s10 =	sld [smem:$0x3FB2];
	_ =	sdelay $0x3  }
0x37: {  	[smem:$0x3FB2] =	sst s10  }
0x38: {  	s10 =	sld [smem:$0x3FB3]  }
0x39: {  	_ = 	snop;
	(pc) =	sbr.ind lr, $3  }
0x3a: {  	_ = 	snop  }
0x3b: {  	_ = 	snop  }
0x3c: {  	p2 =	seq.s32 s10, $0x1;
	s10 =	sld [smem:$0x3FB2]  }
0x3d: {  	_ =	shalt  }
0x3e: {  	_ =	shalt  }
0x3f: {  	_ =	shalt  }
0x40: {  	_ =	shalt  }
0x41: {  	_ =	shalt  }
0x42: {  	_ =	shalt  }
0x43: {  	_ =	shalt  }
0x44: {  	_ =	shalt  }
0x45: {  	_ =	shalt  }
0x46: {  	_ =	shalt  }
0x47: {  	_ =	shalt  }
0x48: {  	_ =	shalt  }
0x49: {  	_ =	shalt  }
0x4a: {  	_ =	shalt  }
0x4b: {  	_ =	shalt  }
0x4c: {  	_ =	shalt  }
0x4d: {  	_ =	shalt  }
0x4e: {  	_ =	shalt  }
0x4f: {  	_ =	shalt  }
0x50: {  	_ =	shalt  }
0x51: {  	_ =	shalt  }
0x52: {  	_ =	shalt  }
0x53: {  	_ =	shalt  }
0x54: {  	_ =	shalt  }
0x55: {  	_ =	shalt  }
0x56: {  	_ =	shalt  }
0x57: {  	_ =	shalt  }
0x58: {  	_ =	shalt  }
0x59: {  	_ =	shalt  }
0x5a: {  	_ =	shalt  }
0x5b: {  	_ =	shalt  }
0x5c: {  	_ =	shalt  }
0x5d: {  	_ =	shalt  }
0x5e: {  	_ =	shalt  }
0x5f: {  	_ =	shalt  }
0x60: {  	_ =	shalt  }
0x61: {  	_ =	shalt  }
0x62: {  	_ =	shalt  }
0x63: {  	_ =	shalt  }
0x64: {  	_ =	shalt  }
0x65: {  	_ =	shalt  }
0x66: {  	_ =	shalt  }
0x67: {  	_ =	shalt  }
0x68: {  	_ =	shalt  }
0x69: {  	_ =	shalt  }
0x6a: {  	_ =	shalt  }
0x6b: {  	_ =	shalt  }
0x6c: {  	_ =	shalt  }
0x6d: {  	_ =	shalt  }
0x6e: {  	_ =	shalt  }
0x6f: {  	_ =	shalt  }
0x70: {  	_ =	shalt  }
0x71: {  	_ =	shalt  }
0x72: {  	_ =	shalt  }
0x73: {  	_ =	shalt  }
0x74: {  	_ =	shalt  }
0x75: {  	_ =	shalt  }
0x76: {  	_ =	shalt  }
0x77: {  	_ =	shalt  }
0x78: {  	_ =	shalt  }
0x79: {  	_ =	shalt  }
0x7a: {  	_ =	shalt  }
0x7b: {  	_ =	shalt  }
0x7c: {  	_ =	shalt  }
0x7d: {  	_ =	shalt  }
0x7e: {  	_ =	shalt  }
0x7f: {  	_ =	shalt  }
0x80: {  	_ =	shalt  }
0x81: {  	_ =	shalt  }
0x82: {  	_ =	shalt  }
0x83: {  	_ =	shalt  }
0x84: {  	_ =	shalt  }
0x85: {  	_ =	shalt  }
0x86: {  	_ =	shalt  }
0x87: {  	_ =	shalt  }
.Lfunc_end0:
.L_simem_size_0:
called_computation_lowered:
.L_overlay_start_0:
0x88: {  	s2 =	sld [smem:$0x3FD9]  }
0x89: {  	s3 =	sld [smem:$0x3FFE];
	_ =	sdelay $0x1  }
0x8a: {  	s1 =	srdreg.scid  }
0x8b: {  	s0 =	sand.u32 $0x1, s1  }
0x8c: {  	s15 =	sshll.u32 s0, $0xA;
	s2 =	sadd.s32 s3, s2  }
0x8d: {  	s2 =	sadd.s32 s2, s15  }
0x8e: {  	[smem:$0x3FBE] =	sst s2  }
0x8f: {  	_ = 	snop  }
0x90: {  	s2 =	sld [smem:$0x3FD0];
	_ =	sdelay $0x2  }
0x91: {  	s4 =	simm.s32 $0xB;
	s16 =	simm.s32 $0x10  }
0x92: {  	[smem:s16], [sflag:s4] =	dma.local [hbm:s2], $0x1  }
0x93: {  	_ =	swait.eq [sflag:s4], $0x1  }
0x94: {  	[sflag:s4] =	ssyncset.done $0x0  }
0x95: {  	s17 =	sld [smem:$0x11];
	[sflag:s4] =	ssyncadd.s32 $0xFFFFFFFF  }
0x96: {  	s18 =	sld [smem:$0x12];
	(tm) =	ssettm $0x1  }
0x97: {  	s19 =	sld [smem:$0x3FFB];
	_ =	sdelay $0x3  }
0x98: {  	_ =	strace s19  }
0x99: {  	s2 =	sld [smem:$0x3FFC];
	_ =	sdelay $0x3  }
0x9a: {  	_ =	strace s2  }
0x9b: {  	s2 =	sld [smem:$0x3FFD];
	_ =	sdelay $0x3  }
0x9c: {  	_ =	strace s2  }
0x9d: {  	_ =	strace $0x8FFFFFFF  }
0x9e: {  	s20 =	sld [smem:$0x3FDB];
	_ =	sdelay $0x1  }
0x9f: {  	s5 =	simm.s32 $_scs_section_size  }
0xa0: {  	s6 =	simm.s32 $_size__tile_overlayer_lowered;
	s7 =	simm.s32 $_tile_overlayer_lowered  }
0xa1: {  	s8 =	simm.s32 $0x1BFF;
	s21 =	sshll.u32 s7, $0x1;
	s5 =	sadd.s32 s5, s20  }
0xa2: {  	s22 =	simm.s32 $0x0;
	s6 =	sshll.u32 s6, $0x1;
	s7 =	sadd.s32 s21, s5  }
0xa3: {  	[timem:s22], [sflag:s8] =	dma.local [hbm:s7], s6  }
0xa4: {  	_ =	swait.ge [sflag:s8], s6  }
0xa5: {  	s6 =	ssub.s32 $0x0, s6;
	[sflag:s8] =	ssyncset.done $0x0  }
0xa6: {  	[sflag:s8] =	ssyncadd.s32 s6;
	_ =	sdelay $0x1  }
0xa7: {  	s23 =	simm.s32 $0x1B8B  }
0xa8: {  	_ =	swait.ge [sflag:s23], $0x1  }
0xa9: {  	[sflag:s23] =	ssyncset.done $0x0  }
0xaa: {  	[sflag:s23] =	ssyncadd.s32 $0xFFFFFFFF  }
0xab: {  	s6 =	sld [smem:$0x0]  }
0xac: {  	s7 =	sand.u32 $0xFFFFFFFE, s1  }
0xad: {  	p0 =	sne.s32 s1, s7  }
0xae: {  	s7 =	sshll.u32 @p0 s7, $0xE  }
0xaf: {  	s7 =	sadd.s32 @p0 $0x11B8D, s7;
	s8 =	sshll.u32 @p0 s6, $0x11  }
0xb0: {  	s7 =	sor.u32 @p0 s8, s7  }
0xb1: {  	[sflag:s7] =	ssyncadd.remote.s32 @p0 $0x1;
	_ =	sdelay $0x1  }
0xb2: {  	s7 =	simm.s32 @p0 $0x1B8D  }
0xb3: {  	_ =	swait.eq @p0 [sflag:s7], $0x1  }
0xb4: {  	[sflag:s7] =	ssyncadd.s32 @p0 $0xFFFFFFFF  }
0xb5: {  	s8 =	sshll.u32 @!p0 s1, $0xE  }
0xb6: {  	s8 =	sor.u32 @!p0 $0x4000, s8;
	s7 =	simm.s32 @!p0 $0x1B8D  }
0xb7: {  	s6 =	sshll.u32 @!p0 s6, $0x11;
	s8 =	sadd.s32 @!p0 $0x11B8D, s8;
	_ =	swait.eq @!p0 [sflag:s7], $0x1  }
0xb8: {  	s6 =	sor.u32 @!p0 s6, s8;
	[sflag:s7] =	ssyncadd.s32 @!p0 $0xFFFFFFFF  }
0xb9: {  	s25 =	simm.s32 $0x1B8E;
	s24 =	sld [smem:$0x3FFE];
	[sflag:s6] =	ssyncadd.remote.s32 @!p0 $0x1  }
0xba: {  	s26 =	simm.s32 $execute0_lowered;
	[smem:$0x3FD2] =	sst s25  }
0xbb: {  	s7 =	sshll.u32 s26, $0x1;
	_ =	strace $0x80000049;
	[dreg:$0x1] =	wrdreg $0xFFFFFFFF  }
0xbc: {  	s28 =	simm.s32 $_size_execute0_lowered;
	s5 =	sadd.s32 s5, s7;
	[dreg:$0x0] =	wrdreg $0x0  }
0xbd: {  	s7 =	sshll.u32 s28, $0x1;
	[dreg:$0x2] =	wrdreg s5  }
0xbe: {  	[dreg:$0x3] =	wrdreg s7  }
0xbf: {  	[dreg:$0x4] =	wrdreg $0xC0  }
0xc0: {  	_ =	task [dreg:s22], $0x5FFFF  }
0xc1: {  	[dreg:$0x1] =	wrdreg $0xFFFFFFFF  }
0xc2: {  	[dreg:$0x0] =	wrdreg $0x60  }
0xc3: {  	[dreg:$0x2] =	wrdreg s24  }
0xc4: {  	[dreg:$0x3] =	wrdreg s18  }
0xc5: {  	[dreg:$0x4] =	wrdreg s17  }
0xc6: {  	[dreg:$0x5] =	wrdreg $0x9  }
0xc7: {  	_ =	task.clear_ibuf [dreg:s22], $0x6FFFF;
	_ =	strace $0x90000049  }
0xc8: {  	s29 =	simm.s32 $0x9;
	_ =	strace $0x8000004B  }
0xc9: {  	_ =	swait.ge [sflag:s29], $0x1  }
0xca: {  	[sflag:s29] =	ssyncadd.s32 $0xFFFFFFFF  }
0xcb: {  	_ =	strace $0x9000004B  }
0xcc: {  	_ =	sfence  }
0xcd: {  	s30 =	sld [smem:$0x0];
	_ =	sdelay $0x2  }
0xce: {  	s31 =	sshll.u32 s1, $0xD;
	s1 =	sshrl.u32 s1, $0x2  }
0xcf: {  	s4 =	sand.u32 $0x4000, s31;
	s1 =	sadd.s32 s1, s30  }
0xd0: {  	s0 =	sor.u32 s4, s0;
	s1 =	sshll.u32 s1, $0x11  }
0xd1: {  	s0 =	sor.u32 s1, s0  }
0xd2: {  	s0 =	sadd.s32 $0x8F2B, s0  }
0xd3: {  	[sflag:s0] =	ssyncadd.remote.s32 $0x1  }
0xd4: {  	_ =	sfence.sel $0xFFFF  }
0xd5: {  	[dreg:$0x0] =	wrdreg $0xFFFFFFFF;
	(pc) =	sbr.abs _section_cstart, $3  }
0xd6: {  	[dreg:$0x1] =	wrdreg $0xFFFFFFFF  }
0xd7: {  	_ =	task.clear_ibuf [dreg:s22], $0x2FFFF;
	_ =	strace $0x9FFFFFFF  }
0xd8: {  	(tm) =	ssettm $0x7FFFFFFF  }
0xd9: {  	_ =	shalt  }
tec
execute0_lowered:
.L_overlay_start_1:
0x0: {  	(tag) =	ssettag $0x1  }
0x1: {  	s4 =	rddreg [dreg:$0x0]  }
0x2: {  	s5 =	rddreg [dreg:$0x1]  }
0x3: {  	s6 =	rddreg [dreg:$0x2]  }
0x4: {  	s2 =	srdreg.scid;
	s0 =	rddreg [dreg:$0x3]  }
0x5: {  	s1 =	stileid.u32;
	s13 =	simm.s32 $0x1000;
	s14 =	simm.s32 $0x1900  }
0x6: {  	s15 =	simm.s32 $0x3900;
	s16 =	simm.s32 $0x5900;
	s17 =	simm.s32 $0x7900  }
0x7: {  	s18 =	simm.s32 $0x9900;
	s19 =	simm.s32 $0xB900;
	s20 =	simm.s32 $0xD900  }
0x8: {  	s21 =	simm.s32 $0xF900;
	s22 =	simm.s32 $0x11900;
	s23 =	simm.s32 $0x13900  }
0x9: {  	s24 =	simm.s32 $0x0;
	s7 =	sand.u32 $0x1, s2;
	s2 =	simm.s32 $0x0  }
0xa: {  	s3 =	sshll.u32 s1, $0x8;
	s11 =	sshll.u32 s1, $0xB;
	s8 =	sshll.u32 s7, $0x7  }
0xb: {  	[smem:$0x7FF] =	sst s2;
	s12 =	ssub.s32 $0x2, s7;
	s11 =	sadd.s32 s11, s4  }
0xc: {  	s7 =	sshll.u32 s7, $0xA;
	s8 =	sor.u32 s8, s3;
	_ =	strace $0x8000004A  }
0xd: {  	s3 =	sadd.s32 $0x7C8600, s4;
	s30 =	sshrl.u32 s12, $0x1;
	s31 =	sadd.s32 s7, s11  }
0xe: {  	s11 =	simm.s32 $0x15980;
	s9 =	sshrl.u32 s8, $0x3;
	s12 =	ssub.s32 s12, s30  }
0xf: {  	s8 =	sshll.u32 s8, $0x3;
	s10 =	sadd.s32 s9, s4;
	s4 =	sadd.s32 s5, s9  }
0x10: {  	s5 =	sadd.s32 s6, s8;
	s7 =	smax.u32 s12, $0x1;
	s8 =	sadd.s32 $0xF88600, s31  }
0x11: {  	s9 =	simm.s32 $0x2;
	s12 =	simm.s32 $0x1;
	s6 =	sadd.s32 $0x7C2200, s10  }
0x12: {  	[dreg:$0x4] =	wrdreg s8;
	s8 =	simm.s32 $0x15900;
	s10 =	simm.s32 $0x80  }
.LBB2_1:
0x13: {  	[tilespmem:s8], [sflag:$0x2] =	stream.linear.gather [hbm4b:s4+s2], $0x80, $0x38;
	[tilespmem:$0x17980] =	vst v63  }
0x14: {  	_ =	swait.ge [sflag:s9], $0x80  }
0x15: {  	[sflag:s9] =	ssyncset.done $0x0  }
0x16: {  	[sflag:s9] =	ssyncadd.s32 $0xFFFFFF80  }
0x17: {  	[tilespmem:s11], [sflag:$0x1] =	stream.indirect.gather [hbm4b:s3+s10], $0x40, s8, s10, $0xb8;
	[tilespmem:$0x17980] =	vst v63  }
0x18: {  	_ =	swait.ge [sflag:s12], $0x2000  }
0x19: {  	[sflag:s12] =	ssyncset.done $0x0  }
0x1a: {  	[sflag:s12] =	ssyncadd.s32 $0xFFFFE000  }
0x1b: {  	[hbm4b:s5+s2] =	stream.linear.scatter [tilespmem:s11], [sflag:$0x2], $0x2000, $0x38;
	[tilespmem:$0x17980] =	vst v63  }
0x1c: {  	_ =	swait.ge [sflag:s9], $0x2000  }
0x1d: {  	[sflag:s9] =	ssyncset.done $0x0  }
0x1e: {  	[sflag:s9] =	ssyncadd.s32 $0xFFFFE000  }
0x1f: {  	[tilespmem:s2], [sflag:$0x2] =	stream.strided.gather [hbm4b:s6+s10], $0x1900, s13, s10, $0x38;
	[tilespmem:$0x17980] =	vst v63  }
0x20: {  	_ =	swait.ge [sflag:s9], $0x1900  }
0x21: {  	[sflag:s9] =	ssyncset.done $0x0  }
0x22: {  	[sflag:s9] =	ssyncadd.s32 $0xFFFFE700  }
0x23: {  	[tilespmem:s14], [sflag:$0x1] =	stream.indirect.gather [hbm4b:s3+s10], $0x40, s2, s10, $0xb8;
	[tilespmem:$0x17980] =	vst v63  }
0x24: {  	s25 =	simm.s32 $0x80  }
0x25: {  	[tilespmem:s15], [sflag:$0x1] =	stream.indirect.gather [hbm4b:s3+s10], $0x40, s25, s10, $0xb8;
	[tilespmem:$0x17980] =	vst v63  }
0x26: {  	s30 =	simm.s32 $0x100  }
0x27: {  	[tilespmem:s16], [sflag:$0x1] =	stream.indirect.gather [hbm4b:s3+s10], $0x40, s30, s10, $0xb8;
	[tilespmem:$0x17980] =	vst v63  }
0x28: {  	s31 =	simm.s32 $0x180  }
0x29: {  	[tilespmem:s17], [sflag:$0x1] =	stream.indirect.gather [hbm4b:s3+s10], $0x40, s31, s10, $0xb8;
	[tilespmem:$0x17980] =	vst v63  }
0x2a: {  	s26 =	simm.s32 $0x200  }
0x2b: {  	[tilespmem:s18], [sflag:$0x1] =	stream.indirect.gather [hbm4b:s3+s10], $0x40, s26, s10, $0xb8;
	[tilespmem:$0x17980] =	vst v63  }
0x2c: {  	s28 =	simm.s32 $0x280  }
0x2d: {  	[tilespmem:s19], [sflag:$0x1] =	stream.indirect.gather [hbm4b:s3+s10], $0x40, s28, s10, $0xb8;
	[tilespmem:$0x17980] =	vst v63  }
0x2e: {  	s29 =	simm.s32 $0x300  }
0x2f: {  	[tilespmem:s20], [sflag:$0x1] =	stream.indirect.gather [hbm4b:s3+s10], $0x40, s29, s10, $0xb8;
	[tilespmem:$0x17980] =	vst v63  }
0x30: {  	s30 =	simm.s32 $0x380  }
0x31: {  	[tilespmem:s21], [sflag:$0x1] =	stream.indirect.gather [hbm4b:s3+s10], $0x40, s30, s10, $0xb8;
	[tilespmem:$0x17980] =	vst v63  }
0x32: {  	s31 =	simm.s32 $0x400  }
0x33: {  	[tilespmem:s22], [sflag:$0x1] =	stream.indirect.gather [hbm4b:s3+s10], $0x40, s31, s10, $0xb8;
	[tilespmem:$0x17980] =	vst v63  }
0x34: {  	s26 =	simm.s32 $0x480  }
0x35: {  	[tilespmem:s23], [sflag:$0x1] =	stream.indirect.gather [hbm4b:s3+s10], $0x40, s26, s10, $0xb8;
	[tilespmem:$0x17980] =	vst v63  }
0x36: {  	_ =	swait.ge [sflag:s12], $0x2000  }
0x37: {  	[sflag:s12] =	ssyncset.done $0x0  }
0x38: {  	[sflag:s12] =	ssyncadd.s32 $0xFFFFE000  }
0x39: {  	_ =	swait.ge [sflag:s12], $0x2000  }
0x3a: {  	[sflag:s12] =	ssyncset.done $0x0  }
0x3b: {  	[sflag:s12] =	ssyncadd.s32 $0xFFFFE000  }
0x3c: {  	_ =	swait.ge [sflag:s12], $0x2000  }
0x3d: {  	[sflag:s12] =	ssyncset.done $0x0  }
0x3e: {  	[sflag:s12] =	ssyncadd.s32 $0xFFFFE000  }
0x3f: {  	_ =	swait.ge [sflag:s12], $0x2000  }
0x40: {  	[sflag:s12] =	ssyncset.done $0x0  }
0x41: {  	[sflag:s12] =	ssyncadd.s32 $0xFFFFE000  }
0x42: {  	_ =	swait.ge [sflag:s12], $0x2000  }
0x43: {  	[sflag:s12] =	ssyncset.done $0x0  }
0x44: {  	[sflag:s12] =	ssyncadd.s32 $0xFFFFE000  }
0x45: {  	_ =	swait.ge [sflag:s12], $0x2000  }
0x46: {  	[sflag:s12] =	ssyncset.done $0x0  }
0x47: {  	[sflag:s12] =	ssyncadd.s32 $0xFFFFE000  }
0x48: {  	_ =	swait.ge [sflag:s12], $0x2000  }
0x49: {  	[sflag:s12] =	ssyncset.done $0x0  }
0x4a: {  	[sflag:s12] =	ssyncadd.s32 $0xFFFFE000  }
0x4b: {  	_ =	swait.ge [sflag:s12], $0x2000  }
0x4c: {  	[sflag:s12] =	ssyncset.done $0x0  }
0x4d: {  	[sflag:s12] =	ssyncadd.s32 $0xFFFFE000  }
0x4e: {  	_ =	swait.ge [sflag:s12], $0x2000  }
0x4f: {  	[sflag:s12] =	ssyncset.done $0x0  }
0x50: {  	[sflag:s12] =	ssyncadd.s32 $0xFFFFE000  }
0x51: {  	_ =	swait.ge [sflag:s12], $0x2000  }
0x52: {  	s28 =	rddreg [dreg:$0x4];
	[sflag:s12] =	ssyncset.done $0x0  }
0x53: {  	[sflag:s12] =	ssyncadd.s32 $0xFFFFE000;
	s25 =	sadd.s32 $0x0, s28  }
0x54: {  	[hbm4b:s25+s2] =	stream.linear.scatter [tilespmem:s14], [sflag:$0x2], $0x2000, $0x38;
	[tilespmem:$0x17980] =	vst v63  }
0x55: {  	_ =	swait.ge [sflag:s9], $0x2000  }
0x56: {  	[sflag:s9] =	ssyncset.done $0x0  }
0x57: {  	s26 =	sadd.s32 $0x8000, s25;
	[sflag:s9] =	ssyncadd.s32 $0xFFFFE000  }
0x58: {  	[hbm4b:s26+s2] =	stream.linear.scatter [tilespmem:s15], [sflag:$0x2], $0x2000, $0x38;
	[tilespmem:$0x17980] =	vst v63  }
0x59: {  	_ =	swait.ge [sflag:s9], $0x2000  }
0x5a: {  	[sflag:s9] =	ssyncset.done $0x0  }
0x5b: {  	s29 =	sadd.s32 $0x10000, s25;
	[sflag:s9] =	ssyncadd.s32 $0xFFFFE000  }
0x5c: {  	[hbm4b:s29+s2] =	stream.linear.scatter [tilespmem:s16], [sflag:$0x2], $0x2000, $0x38;
	[tilespmem:$0x17980] =	vst v63  }
0x5d: {  	_ =	swait.ge [sflag:s9], $0x2000  }
0x5e: {  	[sflag:s9] =	ssyncset.done $0x0  }
0x5f: {  	s30 =	sadd.s32 $0x18000, s25;
	[sflag:s9] =	ssyncadd.s32 $0xFFFFE000  }
0x60: {  	[hbm4b:s30+s2] =	stream.linear.scatter [tilespmem:s17], [sflag:$0x2], $0x2000, $0x38;
	[tilespmem:$0x17980] =	vst v63  }
0x61: {  	_ =	swait.ge [sflag:s9], $0x2000  }
0x62: {  	[sflag:s9] =	ssyncset.done $0x0  }
0x63: {  	s31 =	sadd.s32 $0x20000, s25;
	[sflag:s9] =	ssyncadd.s32 $0xFFFFE000  }
0x64: {  	[hbm4b:s31+s2] =	stream.linear.scatter [tilespmem:s18], [sflag:$0x2], $0x2000, $0x38;
	[tilespmem:$0x17980] =	vst v63  }
0x65: {  	_ =	swait.ge [sflag:s9], $0x2000  }
0x66: {  	[sflag:s9] =	ssyncset.done $0x0  }
0x67: {  	s28 =	sadd.s32 $0x28000, s25;
	[sflag:s9] =	ssyncadd.s32 $0xFFFFE000  }
0x68: {  	[hbm4b:s28+s2] =	stream.linear.scatter [tilespmem:s19], [sflag:$0x2], $0x2000, $0x38;
	[tilespmem:$0x17980] =	vst v63  }
0x69: {  	_ =	swait.ge [sflag:s9], $0x2000  }
0x6a: {  	[sflag:s9] =	ssyncset.done $0x0  }
0x6b: {  	s29 =	sadd.s32 $0x30000, s25;
	[sflag:s9] =	ssyncadd.s32 $0xFFFFE000  }
0x6c: {  	[hbm4b:s29+s2] =	stream.linear.scatter [tilespmem:s20], [sflag:$0x2], $0x2000, $0x38;
	[tilespmem:$0x17980] =	vst v63  }
0x6d: {  	_ =	swait.ge [sflag:s9], $0x2000  }
0x6e: {  	[sflag:s9] =	ssyncset.done $0x0  }
0x6f: {  	s30 =	sadd.s32 $0x38000, s25;
	[sflag:s9] =	ssyncadd.s32 $0xFFFFE000  }
0x70: {  	[hbm4b:s30+s2] =	stream.linear.scatter [tilespmem:s21], [sflag:$0x2], $0x2000, $0x38;
	[tilespmem:$0x17980] =	vst v63  }
0x71: {  	_ =	swait.ge [sflag:s9], $0x2000  }
0x72: {  	[sflag:s9] =	ssyncset.done $0x0  }
0x73: {  	s31 =	sadd.s32 $0x40000, s25;
	[sflag:s9] =	ssyncadd.s32 $0xFFFFE000  }
0x74: {  	[hbm4b:s31+s2] =	stream.linear.scatter [tilespmem:s22], [sflag:$0x2], $0x2000, $0x38;
	[tilespmem:$0x17980] =	vst v63  }
0x75: {  	_ =	swait.ge [sflag:s9], $0x2000  }
0x76: {  	[sflag:s9] =	ssyncset.done $0x0  }
0x77: {  	s25 =	sadd.s32 $0x48000, s25;
	[sflag:s9] =	ssyncadd.s32 $0xFFFFE000  }
0x78: {  	[hbm4b:s25+s2] =	stream.linear.scatter [tilespmem:s23], [sflag:$0x2], $0x2000, $0x38;
	[tilespmem:$0x17980] =	vst v63  }
0x79: {  	_ =	swait.ge [sflag:s9], $0x2000  }
0x7a: {  	s26 =	simm.s32 $0x0;
	s25 =	simm.s32 $0x50000;
	[sflag:s9] =	ssyncset.done $0x0  }
.LBB2_2:
0x7b: {  	[sflag:s9] =	ssyncadd.s32 $0xFFFFE000;
	s26 =	sadd.s32 $0x500, s26  }
0x7c: {  	[tilespmem:s14], [sflag:$0x1] =	stream.indirect.gather [hbm4b:s3+s10], $0x40, s26, s10, $0xb8;
	[tilespmem:$0x17980] =	vst v63  }
0x7d: {  	s29 =	sadd.s32 $0x80, s26  }
0x7e: {  	[tilespmem:s15], [sflag:$0x1] =	stream.indirect.gather [hbm4b:s3+s10], $0x40, s29, s10, $0xb8;
	[tilespmem:$0x17980] =	vst v63  }
0x7f: {  	s30 =	sadd.s32 $0x100, s26  }
0x80: {  	[tilespmem:s16], [sflag:$0x1] =	stream.indirect.gather [hbm4b:s3+s10], $0x40, s30, s10, $0xb8;
	[tilespmem:$0x17980] =	vst v63  }
0x81: {  	s31 =	sadd.s32 $0x180, s26  }
0x82: {  	[tilespmem:s17], [sflag:$0x1] =	stream.indirect.gather [hbm4b:s3+s10], $0x40, s31, s10, $0xb8;
	[tilespmem:$0x17980] =	vst v63  }
0x83: {  	s30 =	sadd.s32 $0x200, s26  }
0x84: {  	[tilespmem:s18], [sflag:$0x1] =	stream.indirect.gather [hbm4b:s3+s10], $0x40, s30, s10, $0xb8;
	[tilespmem:$0x17980] =	vst v63  }
0x85: {  	s31 =	sadd.s32 $0x280, s26  }
0x86: {  	[tilespmem:s19], [sflag:$0x1] =	stream.indirect.gather [hbm4b:s3+s10], $0x40, s31, s10, $0xb8;
	[tilespmem:$0x17980] =	vst v63  }
0x87: {  	s30 =	sadd.s32 $0x300, s26  }
0x88: {  	[tilespmem:s20], [sflag:$0x1] =	stream.indirect.gather [hbm4b:s3+s10], $0x40, s30, s10, $0xb8;
	[tilespmem:$0x17980] =	vst v63  }
0x89: {  	s31 =	sadd.s32 $0x380, s26  }
0x8a: {  	[tilespmem:s21], [sflag:$0x1] =	stream.indirect.gather [hbm4b:s3+s10], $0x40, s31, s10, $0xb8;
	[tilespmem:$0x17980] =	vst v63  }
0x8b: {  	s30 =	sadd.s32 $0x400, s26  }
0x8c: {  	[tilespmem:s22], [sflag:$0x1] =	stream.indirect.gather [hbm4b:s3+s10], $0x40, s30, s10, $0xb8;
	[tilespmem:$0x17980] =	vst v63  }
0x8d: {  	s31 =	sadd.s32 $0x480, s26  }
0x8e: {  	[tilespmem:s23], [sflag:$0x1] =	stream.indirect.gather [hbm4b:s3+s10], $0x40, s31, s10, $0xb8;
	[tilespmem:$0x17980] =	vst v63  }
0x8f: {  	_ =	swait.ge [sflag:s12], $0x2000  }
0x90: {  	[sflag:s12] =	ssyncset.done $0x0  }
0x91: {  	[sflag:s12] =	ssyncadd.s32 $0xFFFFE000  }
0x92: {  	_ =	swait.ge [sflag:s12], $0x2000  }
0x93: {  	[sflag:s12] =	ssyncset.done $0x0  }
0x94: {  	[sflag:s12] =	ssyncadd.s32 $0xFFFFE000  }
0x95: {  	_ =	swait.ge [sflag:s12], $0x2000  }
0x96: {  	[sflag:s12] =	ssyncset.done $0x0  }
0x97: {  	[sflag:s12] =	ssyncadd.s32 $0xFFFFE000  }
0x98: {  	_ =	swait.ge [sflag:s12], $0x2000  }
0x99: {  	[sflag:s12] =	ssyncset.done $0x0  }
0x9a: {  	[sflag:s12] =	ssyncadd.s32 $0xFFFFE000  }
0x9b: {  	_ =	swait.ge [sflag:s12], $0x2000  }
0x9c: {  	[sflag:s12] =	ssyncset.done $0x0  }
0x9d: {  	[sflag:s12] =	ssyncadd.s32 $0xFFFFE000  }
0x9e: {  	_ =	swait.ge [sflag:s12], $0x2000  }
0x9f: {  	[sflag:s12] =	ssyncset.done $0x0  }
0xa0: {  	[sflag:s12] =	ssyncadd.s32 $0xFFFFE000  }
0xa1: {  	_ =	swait.ge [sflag:s12], $0x2000  }
0xa2: {  	[sflag:s12] =	ssyncset.done $0x0  }
0xa3: {  	[sflag:s12] =	ssyncadd.s32 $0xFFFFE000  }
0xa4: {  	_ =	swait.ge [sflag:s12], $0x2000  }
0xa5: {  	[sflag:s12] =	ssyncset.done $0x0  }
0xa6: {  	[sflag:s12] =	ssyncadd.s32 $0xFFFFE000  }
0xa7: {  	_ =	swait.ge [sflag:s12], $0x2000  }
0xa8: {  	[sflag:s12] =	ssyncset.done $0x0  }
0xa9: {  	[sflag:s12] =	ssyncadd.s32 $0xFFFFE000  }
0xaa: {  	_ =	swait.ge [sflag:s12], $0x2000  }
0xab: {  	s28 =	smov.u32 s25;
	s30 =	rddreg [dreg:$0x4];
	[sflag:s12] =	ssyncset.done $0x0  }
0xac: {  	[sflag:s12] =	ssyncadd.s32 $0xFFFFE000;
	s28 =	sadd.s32 s28, s30  }
0xad: {  	[hbm4b:s28+s2] =	stream.linear.scatter [tilespmem:s14], [sflag:$0x2], $0x2000, $0x38;
	[tilespmem:$0x17980] =	vst v63  }
0xae: {  	_ =	swait.ge [sflag:s9], $0x2000  }
0xaf: {  	[sflag:s9] =	ssyncset.done $0x0  }
0xb0: {  	s29 =	sadd.s32 $0x8000, s28;
	[sflag:s9] =	ssyncadd.s32 $0xFFFFE000  }
0xb1: {  	[hbm4b:s29+s2] =	stream.linear.scatter [tilespmem:s15], [sflag:$0x2], $0x2000, $0x38;
	[tilespmem:$0x17980] =	vst v63  }
0xb2: {  	_ =	swait.ge [sflag:s9], $0x2000  }
0xb3: {  	[sflag:s9] =	ssyncset.done $0x0  }
0xb4: {  	s31 =	sadd.s32 $0x10000, s28;
	[sflag:s9] =	ssyncadd.s32 $0xFFFFE000  }
0xb5: {  	[hbm4b:s31+s2] =	stream.linear.scatter [tilespmem:s16], [sflag:$0x2], $0x2000, $0x38;
	[tilespmem:$0x17980] =	vst v63  }
0xb6: {  	_ =	swait.ge [sflag:s9], $0x2000  }
0xb7: {  	[sflag:s9] =	ssyncset.done $0x0  }
0xb8: {  	s30 =	sadd.s32 $0x18000, s28;
	[sflag:s9] =	ssyncadd.s32 $0xFFFFE000  }
0xb9: {  	[hbm4b:s30+s2] =	stream.linear.scatter [tilespmem:s17], [sflag:$0x2], $0x2000, $0x38;
	[tilespmem:$0x17980] =	vst v63  }
0xba: {  	_ =	swait.ge [sflag:s9], $0x2000  }
0xbb: {  	[sflag:s9] =	ssyncset.done $0x0  }
0xbc: {  	s31 =	sadd.s32 $0x20000, s28;
	[sflag:s9] =	ssyncadd.s32 $0xFFFFE000  }
0xbd: {  	[hbm4b:s31+s2] =	stream.linear.scatter [tilespmem:s18], [sflag:$0x2], $0x2000, $0x38;
	[tilespmem:$0x17980] =	vst v63  }
0xbe: {  	_ =	swait.ge [sflag:s9], $0x2000  }
0xbf: {  	[sflag:s9] =	ssyncset.done $0x0  }
0xc0: {  	s30 =	sadd.s32 $0x28000, s28;
	[sflag:s9] =	ssyncadd.s32 $0xFFFFE000  }
0xc1: {  	[hbm4b:s30+s2] =	stream.linear.scatter [tilespmem:s19], [sflag:$0x2], $0x2000, $0x38;
	[tilespmem:$0x17980] =	vst v63  }
0xc2: {  	_ =	swait.ge [sflag:s9], $0x2000  }
0xc3: {  	[sflag:s9] =	ssyncset.done $0x0  }
0xc4: {  	s31 =	sadd.s32 $0x30000, s28;
	[sflag:s9] =	ssyncadd.s32 $0xFFFFE000  }
0xc5: {  	[hbm4b:s31+s2] =	stream.linear.scatter [tilespmem:s20], [sflag:$0x2], $0x2000, $0x38;
	[tilespmem:$0x17980] =	vst v63  }
0xc6: {  	_ =	swait.ge [sflag:s9], $0x2000  }
0xc7: {  	[sflag:s9] =	ssyncset.done $0x0  }
0xc8: {  	s30 =	sadd.s32 $0x38000, s28;
	[sflag:s9] =	ssyncadd.s32 $0xFFFFE000  }
0xc9: {  	[hbm4b:s30+s2] =	stream.linear.scatter [tilespmem:s21], [sflag:$0x2], $0x2000, $0x38;
	[tilespmem:$0x17980] =	vst v63  }
0xca: {  	_ =	swait.ge [sflag:s9], $0x2000  }
0xcb: {  	[sflag:s9] =	ssyncset.done $0x0  }
0xcc: {  	s31 =	sadd.s32 $0x40000, s28;
	[sflag:s9] =	ssyncadd.s32 $0xFFFFE000  }
0xcd: {  	[hbm4b:s31+s2] =	stream.linear.scatter [tilespmem:s22], [sflag:$0x2], $0x2000, $0x38;
	[tilespmem:$0x17980] =	vst v63  }
0xce: {  	p0 =	sne.s32 s25, $0x140000;
	_ =	swait.ge [sflag:s9], $0x2000  }
.Ltmp0:
0xcf: {  	[sflag:s9] =	ssyncset.done $0x0;
	(pc) =	sbr.rel @p0 .LBB2_2-.Ltmp0, $4  }
0xd0: {  	s28 =	sadd.s32 $0x48000, s28;
	[sflag:s9] =	ssyncadd.s32 $0xFFFFE000  }
0xd1: {  	[hbm4b:s28+s2] =	stream.linear.scatter [tilespmem:s23], [sflag:$0x2], $0x2000, $0x38;
	[tilespmem:$0x17980] =	vst v63  }
0xd2: {  	_ =	swait.ge [sflag:s9], $0x2000  }
0xd3: {  	s25 =	sadd.s32 $0x50000, s25;
	[sflag:s9] =	ssyncset.done $0x0  }
0xd4: {  	s24 =	sadd.s32 $0x1, s24  }
0xd5: {  	p0 =	sne.s32 s24, s7  }
.Ltmp1:
0xd6: {  	_ = 	snop;
	(pc) =	sbr.rel @p0 .LBB2_1-.Ltmp1, $2  }
0xd7: {  	_ =	sdelay $0x2  }
0xd8: {  	[sflag:s9] =	ssyncadd.s32 $0xFFFFE000  }
0xd9: {  	_ =	sfence.sel $0x180000  }
0xda: {  	[bflag:$0x0] =	sbarrier.arrive $0xFFFF  }
0xdb: {  	p0 =	sne.s32 s1, $0x0;
	_ =	strace $0x9000004A  }
0xdc: {  	s0 =	sadd.s32 @!p0 $0x100000, s0;
	[bflag:$0x2] =	sbarrier.arrive $0xFFFF  }
0xdd: {  	[sflag:s0] =	ssyncadd.tile.s32 @!p0 $0x1;
	_ =	shalt  }
.Lfunc_end2:
_tile_overlayer_lowered:
.L_overlay_start_2:
0xde: {  	(tag) =	ssettag $0x2  }
0xdf: {  	s0 =	rddreg [dreg:$0x0];
	s2 =	stileid.u32  }
0xe0: {  	s1 =	rddreg [dreg:$0x1];
	p0 =	sne.s32 s2, $0x0  }
0xe1: {  	s3 =	rddreg [dreg:$0x2];
	[bflag:$0x3] =	sbarrier.arrive $0xFFFF;
	s2 =	simm.s32 @!p0 $0x1C02  }
0xe2: {  	[timem:s3], [sflag:s2] =	dma.local @!p0 [hbm:s0], s1  }
0xe3: {  	s0 =	simm.s32 @!p0 $0x2  }
0xe4: {  	_ =	swait.ge @!p0 [sflag:s0], s1  }
0xe5: {  	s1 =	ssub.s32 @!p0 $0x0, s1;
	[sflag:s0] =	ssyncset.done @!p0 $0x0  }
0xe6: {  	[sflag:s0] =	ssyncadd.s32 @!p0 s1  }
0xe7: {  	[bflag:$0x3] =	sbarrier.arrive $0xFFFF  }
0xe8: {  	_ =	shalt  }

</sc_bundles>
